<compile_context>
chip_gen: v7x
topology: tpu7x:2x2x1
jax: 0.10.2.dev20260603
libtpu: 0.0.44.dev20260713+nightly
codegen_flags: <defaults>
</compile_context>

<pallas_src>
import functools

import jax
import jax.numpy as jnp
from jax import lax
from jax.experimental import pallas as pl
from jax.experimental.pallas import tpu as pltpu
from jax.experimental.pallas import tpu_sc as plsc


B, N, E, ATOM_DIM, BOND_DIM = 64, 128, 256, 64, 16
C = 16
BF = jnp.bfloat16

NW = 32
ROWS_PER_W = B * E // NW
CHUNK = 128
NCHUNK = ROWS_PER_W // CHUNK
BATCH_PER_W = B // NW
ACC_ROWS = BATCH_PER_W * N

_MESH = plsc.VectorSubcoreMesh(core_axis_name="c", subcore_axis_name="s")


@functools.partial(
    pl.kernel, mesh=_MESH,
    compiler_params=pltpu.CompilerParams(use_tc_tiling_on_sc=False),
    out_type=jax.ShapeDtypeStruct((B * E, ATOM_DIM), jnp.float32),
    scratch_types=[
        pltpu.VMEM((NCHUNK, CHUNK), jnp.int32),
        pltpu.VMEM((ROWS_PER_W, ATOM_DIM), jnp.float32),
        pltpu.SemaphoreType.DMA,
    ],
)
def _sc_gather(table_hbm, gidx_hbm, out_hbm, idx_v, rows_v, sem):
    wid = lax.axis_index("s") * 2 + lax.axis_index("c")
    pltpu.sync_copy(gidx_hbm.at[wid], idx_v)
    for j in range(NCHUNK):
        pltpu.async_copy(table_hbm.at[idx_v.at[j]],
                         rows_v.at[pl.ds(j * CHUNK, CHUNK)], sem).wait()
    pltpu.sync_copy(rows_v, out_hbm.at[pl.ds(wid * ROWS_PER_W, ROWS_PER_W)])


@functools.partial(
    pl.kernel, mesh=_MESH,
    compiler_params=pltpu.CompilerParams(use_tc_tiling_on_sc=False),
    out_type=jax.ShapeDtypeStruct((B * N, ATOM_DIM), jnp.float32),
    scratch_types=[
        pltpu.VMEM((NCHUNK, CHUNK), jnp.int32),
        pltpu.VMEM((ROWS_PER_W, ATOM_DIM), jnp.float32),
        pltpu.VMEM((ACC_ROWS, ATOM_DIM), jnp.float32),
        pltpu.VMEM_SHARED((16 * ACC_ROWS, ATOM_DIM), jnp.float32),
        pltpu.SemaphoreType.DMA,
    ],
)
def _sc_scatter(msg_hbm, sidx_hbm, out_hbm, idx_v, msg_v, zbuf_v, acc_sh,
                sem):
    cid = lax.axis_index("c")
    sid = lax.axis_index("s")
    wid = sid * 2 + cid
    pltpu.sync_copy(sidx_hbm.at[wid], idx_v)
    pltpu.sync_copy(msg_hbm.at[pl.ds(wid * ROWS_PER_W, ROWS_PER_W)], msg_v)

    zero = jnp.zeros((16,), jnp.float32)

    def _zero_row(i, carry):
        for cb in range(ATOM_DIM // 16):
            zbuf_v[i, pl.ds(cb * 16, 16)] = zero
        return carry

    lax.fori_loop(0, ACC_ROWS, _zero_row, 0)
    pltpu.sync_copy(zbuf_v, acc_sh.at[pl.ds(sid * ACC_ROWS, ACC_ROWS)])

    for j in range(NCHUNK):
        pltpu.sync_copy(msg_v.at[pl.ds(j * CHUNK, CHUNK)],
                        acc_sh.at[idx_v.at[j]], add=True)
    pltpu.sync_copy(acc_sh.at[pl.ds(sid * ACC_ROWS, ACC_ROWS)],
                    out_hbm.at[pl.ds(wid * ACC_ROWS, ACC_ROWS)])


def _tc_kernel(src_ref, bond_ref, w_ref, r_ref, out_ref):
    src = src_ref[...].astype(BF)
    bond = bond_ref[...].astype(BF)
    bond_exp = jax.lax.dot(bond, r_ref[...],
                           preferred_element_type=jnp.float32).astype(BF)
    g = jnp.tile(src, (1, BOND_DIM)) * bond_exp
    out_ref[...] = jax.lax.dot(g, w_ref[...],
                               preferred_element_type=jnp.float32)


@jax.jit
def kernel(atom_state, bond_state, connectivity, bond_transform):
    barange = jnp.arange(B, dtype=jnp.int32)[:, None]
    gidx = (connectivity[:, :, 0] + barange * N).reshape(NW, NCHUNK, CHUNK)
    sid_of_b = barange // (2 * BATCH_PER_W)
    sidx = (sid_of_b * ACC_ROWS + (barange % BATCH_PER_W) * N
            + connectivity[:, :, 1]).reshape(NW, NCHUNK, CHUNK)
    w = bond_transform.reshape(BOND_DIM, ATOM_DIM, ATOM_DIM)
    w = w.transpose(0, 2, 1).reshape(BOND_DIM * ATOM_DIM, ATOM_DIM)
    r = jnp.repeat(jnp.eye(BOND_DIM, dtype=BF), ATOM_DIM, axis=1)

    src_atoms = _sc_gather(atom_state.reshape(B * N, ATOM_DIM), gidx)

    rows = C * E
    msg = pl.pallas_call(
        _tc_kernel,
        grid=(B * E // rows,),
        in_specs=[
            pl.BlockSpec((rows, ATOM_DIM), lambda b: (b, 0)),
            pl.BlockSpec((rows, BOND_DIM), lambda b: (b, 0)),
            pl.BlockSpec((BOND_DIM * ATOM_DIM, ATOM_DIM), lambda b: (0, 0)),
            pl.BlockSpec((BOND_DIM, BOND_DIM * ATOM_DIM), lambda b: (0, 0)),
        ],
        out_specs=pl.BlockSpec((rows, ATOM_DIM), lambda b: (b, 0)),
        out_shape=jax.ShapeDtypeStruct((B * E, ATOM_DIM), jnp.float32),
    )(src_atoms, bond_state.reshape(B * E, BOND_DIM), w.astype(BF), r)

    out = _sc_scatter(msg, sidx)
    return out.reshape(B, N, ATOM_DIM)

# --- scband reference (transcript-rebuilt; emitter-appended) ---
"""Pipeline reference for scband-bond-matrix-message-76647986364766 (READ-ONLY COPY).

The authoritative reference and input builder live on the scoring server;
editing this copy changes nothing except your own understanding.
"""

import jax, jax.numpy as jnp
import numpy as np

B, N, E, ATOM_DIM, BOND_DIM = 64, 128, 256, 64, 16

def setup_inputs(seed: int = 0) -> dict:
    key = jax.random.key(seed)
    k1, k2, k3, k4 = jax.random.split(key, 4)
    atom_state = jax.random.normal(k1, (B, N, ATOM_DIM), dtype=jnp.float32)
    bond_state = jax.random.normal(k2, (B, E, BOND_DIM), dtype=jnp.float32)
    connectivity = jax.random.randint(k3, (B, E, 2), 0, N, dtype=jnp.int32)
    limit = float(np.sqrt(6.0 / (BOND_DIM + ATOM_DIM * ATOM_DIM)))
    bond_transform = jax.random.uniform(k4, (BOND_DIM, ATOM_DIM * ATOM_DIM), minval=-limit, maxval=limit, dtype=jnp.float32)
    return {"atom_state": atom_state, "bond_state": bond_state, "connectivity": connectivity, "bond_transform": bond_transform}

def reference(atom_state, bond_state, connectivity, bond_transform):
    B_, N_, d = atom_state.shape
    E_ = bond_state.shape[1]
    src_idx = connectivity[:, :, 0]
    tgt_idx = connectivity[:, :, 1]
    # batched gather of source atom states: (B, E, atom_dim)
    src_atoms = jnp.take_along_axis(atom_state, src_idx[:, :, None], axis=1)
    # bond embedding -> per-edge (atom_dim x atom_dim) matrix
    bond_weights = jnp.matmul(bond_state, bond_transform).reshape(B_, E_, d, d)
    # messages = A_e @ h_src : (B, E, atom_dim)
    messages = jnp.einsum('beij,bej->bei', bond_weights, src_atoms)
    # scatter-add messages to target atoms per batch element
    def scatter_one(m, t):
        return jnp.zeros((N_, d), dtype=m.dtype).at[t].add(m)
    aggregated = jax.vmap(scatter_one)(messages, tgt_idx)
    return aggregated

if __name__ == "__main__":
    import jax
    _d = setup_inputs()
    print(jax.jit(kernel)(*tuple(_d.values())))

</pallas_src>

<mosaic_0001>
#map = affine_map<(d0, d1) -> (0, 0)>
#map1 = affine_map<(d0, d1) -> (0, 0, 0)>
module attributes {stable_mosaic.version = 14 : i64} {
  func.func @_sc_gather(%arg0: i32, %arg1: i32, %arg2: memref<8192x64xf32, #tpu.memory_space<hbm>>, %arg3: memref<32x4x128xi32, #tpu.memory_space<hbm>>, %arg4: memref<16384x64xf32, #tpu.memory_space<hbm>>, %arg5: memref<4x128xi32, #tpu.memory_space<vmem>>, %arg6: memref<512x64xf32, #tpu.memory_space<vmem>>, %arg7: memref<!tpu.dma_semaphore, #tpu.memory_space<semaphore_mem>>) attributes {dimension_semantics = [#tpu.dimension_semantics<core_parallel>, #tpu.dimension_semantics<subcore_parallel>], iteration_bounds = array<i64: 2, 16>, scalar_prefetch = 0 : i64, scratch_operands = 3 : i64, tpu.core_type = #tpu.core_type<sc_vector_subcore>, window_params = [{transform_indices = #map}, {transform_indices = #map1}, {transform_indices = #map}]} {
    %mul3A = arith.constant 2 : i32
    %mul3A_0 = arith.muli %arg1, %mul3A : i32
    %add3A = arith.addi %mul3A_0, %arg0 : i32
    "tpu.region"() ({
      %run_scoped3A = tpu.sem_alloc : memref<!tpu.dma_semaphore, #tpu.memory_space<semaphore_mem>>
      %dma_start3A_81 = arith.constant 0 : i32
      %dma_start3A_82 = arith.constant 0 : i32
      %dma_start3A_83 = tpu.memref_slice %arg3[%add3A, %dma_start3A_81, %dma_start3A_82] : memref<32x4x128xi32, #tpu.memory_space<hbm>> -> memref<1x4x128xi32, #tpu.memory_space<hbm>>
      %dma_start3A_84 = tpu.memref_squeeze %dma_start3A_83 : memref<1x4x128xi32, #tpu.memory_space<hbm>> -> memref<4x128xi32, #tpu.memory_space<hbm>>
      %dma_start3A_85 = arith.constant 0 : i32
      %dma_start3A_86 = arith.constant 0 : i32
      %dma_start3A_87 = tpu.memref_slice %arg3[%add3A, %dma_start3A_85, %dma_start3A_86] : memref<32x4x128xi32, #tpu.memory_space<hbm>> -> memref<1x4x128xi32, #tpu.memory_space<hbm>>
      %dma_start3A_88 = tpu.memref_squeeze %dma_start3A_87 : memref<1x4x128xi32, #tpu.memory_space<hbm>> -> memref<4x128xi32, #tpu.memory_space<hbm>>
      tpu.enqueue_dma source(%dma_start3A_88 : memref<4x128xi32, #tpu.memory_space<hbm>>) target(%arg5 : memref<4x128xi32, #tpu.memory_space<vmem>>) target_semaphore(%run_scoped3A : memref<!tpu.dma_semaphore, #tpu.memory_space<semaphore_mem>>)
      %dma_wait3A_89 = arith.constant 0 : i32
      %dma_wait3A_90 = arith.constant 0 : i32
      %dma_wait3A_91 = tpu.memref_slice %arg3[%add3A, %dma_wait3A_89, %dma_wait3A_90] : memref<32x4x128xi32, #tpu.memory_space<hbm>> -> memref<1x4x128xi32, #tpu.memory_space<hbm>>
      %dma_wait3A_92 = tpu.memref_squeeze %dma_wait3A_91 : memref<1x4x128xi32, #tpu.memory_space<hbm>> -> memref<4x128xi32, #tpu.memory_space<hbm>>
      %dma_wait3A_93 = arith.constant 0 : i32
      %dma_wait3A_94 = arith.constant 0 : i32
      %dma_wait3A_95 = tpu.memref_slice %arg3[%add3A, %dma_wait3A_93, %dma_wait3A_94] : memref<32x4x128xi32, #tpu.memory_space<hbm>> -> memref<1x4x128xi32, #tpu.memory_space<hbm>>
      %dma_wait3A_96 = tpu.memref_squeeze %dma_wait3A_95 : memref<1x4x128xi32, #tpu.memory_space<hbm>> -> memref<4x128xi32, #tpu.memory_space<hbm>>
      tpu.wait_dma2 semaphore(%run_scoped3A : memref<!tpu.dma_semaphore, #tpu.memory_space<semaphore_mem>>) src(%dma_wait3A_96 : memref<4x128xi32, #tpu.memory_space<hbm>>) dst(%arg5 : memref<4x128xi32, #tpu.memory_space<vmem>>)
      tpu.yield
    }) : () -> ()
    %dma_start3A = arith.constant 0 : i32
    %dma_start3A_1 = arith.constant 0 : i32
    %dma_start3A_2 = arith.constant 0 : i32
    %dma_start3A_3 = tpu.memref_slice %arg6[%dma_start3A_1, %dma_start3A_2] : memref<512x64xf32, #tpu.memory_space<vmem>> -> memref<128x64xf32, #tpu.memory_space<vmem>>
    %dma_start3A_4 = arith.constant 0 : i32
    %dma_start3A_5 = tpu.memref_slice %arg5[%dma_start3A, %dma_start3A_4] : memref<4x128xi32, #tpu.memory_space<vmem>> -> memref<1x128xi32, #tpu.memory_space<vmem>>
    %dma_start3A_6 = tpu.memref_squeeze %dma_start3A_5 : memref<1x128xi32, #tpu.memory_space<vmem>> -> memref<128xi32, #tpu.memory_space<vmem>>
    %dma_start3A_7 = arith.constant 0 : i32
    %dma_start3A_8 = arith.constant 0 : i32
    %dma_start3A_9 = tpu.memref_slice %arg2[%dma_start3A_7, %dma_start3A_8] : memref<8192x64xf32, #tpu.memory_space<hbm>> -> memref<8192x64xf32, #tpu.memory_space<hbm>>
    tpu.enqueue_indirect_dma source(%dma_start3A_9 : memref<8192x64xf32, #tpu.memory_space<hbm>>) target(%dma_start3A_3 : memref<128x64xf32, #tpu.memory_space<vmem>>) offsets(%dma_start3A_6 : memref<128xi32, #tpu.memory_space<vmem>>) semaphore(%arg7 : memref<!tpu.dma_semaphore, #tpu.memory_space<semaphore_mem>>)
    %dma_wait3A = arith.constant 0 : i32
    %dma_wait3A_10 = arith.constant 0 : i32
    %dma_wait3A_11 = arith.constant 0 : i32
    %dma_wait3A_12 = tpu.memref_slice %arg6[%dma_wait3A_10, %dma_wait3A_11] : memref<512x64xf32, #tpu.memory_space<vmem>> -> memref<128x64xf32, #tpu.memory_space<vmem>>
    %dma_wait3A_13 = arith.constant 0 : i32
    %dma_wait3A_14 = tpu.memref_slice %arg5[%dma_wait3A, %dma_wait3A_13] : memref<4x128xi32, #tpu.memory_space<vmem>> -> memref<1x128xi32, #tpu.memory_space<vmem>>
    %dma_wait3A_15 = tpu.memref_squeeze %dma_wait3A_14 : memref<1x128xi32, #tpu.memory_space<vmem>> -> memref<128xi32, #tpu.memory_space<vmem>>
    %dma_wait3A_16 = arith.constant 0 : i32
    %dma_wait3A_17 = arith.constant 0 : i32
    %dma_wait3A_18 = tpu.memref_slice %arg2[%dma_wait3A_16, %dma_wait3A_17] : memref<8192x64xf32, #tpu.memory_space<hbm>> -> memref<8192x64xf32, #tpu.memory_space<hbm>>
    tpu.wait_indirect_dma semaphore(%arg7 : memref<!tpu.dma_semaphore, #tpu.memory_space<semaphore_mem>>) src(%dma_wait3A_18 : memref<8192x64xf32, #tpu.memory_space<hbm>>) dst(%dma_wait3A_12 : memref<128x64xf32, #tpu.memory_space<vmem>>)
    %dma_start3A_19 = arith.constant 1 : i32
    %dma_start3A_20 = arith.constant 128 : i32
    %dma_start3A_21 = arith.constant 0 : i32
    %dma_start3A_22 = tpu.memref_slice %arg6[%dma_start3A_20, %dma_start3A_21] : memref<512x64xf32, #tpu.memory_space<vmem>> -> memref<128x64xf32, #tpu.memory_space<vmem>>
    %dma_start3A_23 = arith.constant 0 : i32
    %dma_start3A_24 = tpu.memref_slice %arg5[%dma_start3A_19, %dma_start3A_23] : memref<4x128xi32, #tpu.memory_space<vmem>> -> memref<1x128xi32, #tpu.memory_space<vmem>>
    %dma_start3A_25 = tpu.memref_squeeze %dma_start3A_24 : memref<1x128xi32, #tpu.memory_space<vmem>> -> memref<128xi32, #tpu.memory_space<vmem>>
    %dma_start3A_26 = arith.constant 0 : i32
    %dma_start3A_27 = arith.constant 0 : i32
    %dma_start3A_28 = tpu.memref_slice %arg2[%dma_start3A_26, %dma_start3A_27] : memref<8192x64xf32, #tpu.memory_space<hbm>> -> memref<8192x64xf32, #tpu.memory_space<hbm>>
    tpu.enqueue_indirect_dma source(%dma_start3A_28 : memref<8192x64xf32, #tpu.memory_space<hbm>>) target(%dma_start3A_22 : memref<128x64xf32, #tpu.memory_space<vmem>>) offsets(%dma_start3A_25 : memref<128xi32, #tpu.memory_space<vmem>>) semaphore(%arg7 : memref<!tpu.dma_semaphore, #tpu.memory_space<semaphore_mem>>)
    %dma_wait3A_29 = arith.constant 1 : i32
    %dma_wait3A_30 = arith.constant 128 : i32
    %dma_wait3A_31 = arith.constant 0 : i32
    %dma_wait3A_32 = tpu.memref_slice %arg6[%dma_wait3A_30, %dma_wait3A_31] : memref<512x64xf32, #tpu.memory_space<vmem>> -> memref<128x64xf32, #tpu.memory_space<vmem>>
    %dma_wait3A_33 = arith.constant 0 : i32
    %dma_wait3A_34 = tpu.memref_slice %arg5[%dma_wait3A_29, %dma_wait3A_33] : memref<4x128xi32, #tpu.memory_space<vmem>> -> memref<1x128xi32, #tpu.memory_space<vmem>>
    %dma_wait3A_35 = tpu.memref_squeeze %dma_wait3A_34 : memref<1x128xi32, #tpu.memory_space<vmem>> -> memref<128xi32, #tpu.memory_space<vmem>>
    %dma_wait3A_36 = arith.constant 0 : i32
    %dma_wait3A_37 = arith.constant 0 : i32
    %dma_wait3A_38 = tpu.memref_slice %arg2[%dma_wait3A_36, %dma_wait3A_37] : memref<8192x64xf32, #tpu.memory_space<hbm>> -> memref<8192x64xf32, #tpu.memory_space<hbm>>
    tpu.wait_indirect_dma semaphore(%arg7 : memref<!tpu.dma_semaphore, #tpu.memory_space<semaphore_mem>>) src(%dma_wait3A_38 : memref<8192x64xf32, #tpu.memory_space<hbm>>) dst(%dma_wait3A_32 : memref<128x64xf32, #tpu.memory_space<vmem>>)
    %dma_start3A_39 = arith.constant 2 : i32
    %dma_start3A_40 = arith.constant 256 : i32
    %dma_start3A_41 = arith.constant 0 : i32
    %dma_start3A_42 = tpu.memref_slice %arg6[%dma_start3A_40, %dma_start3A_41] : memref<512x64xf32, #tpu.memory_space<vmem>> -> memref<128x64xf32, #tpu.memory_space<vmem>>
    %dma_start3A_43 = arith.constant 0 : i32
    %dma_start3A_44 = tpu.memref_slice %arg5[%dma_start3A_39, %dma_start3A_43] : memref<4x128xi32, #tpu.memory_space<vmem>> -> memref<1x128xi32, #tpu.memory_space<vmem>>
    %dma_start3A_45 = tpu.memref_squeeze %dma_start3A_44 : memref<1x128xi32, #tpu.memory_space<vmem>> -> memref<128xi32, #tpu.memory_space<vmem>>
    %dma_start3A_46 = arith.constant 0 : i32
    %dma_start3A_47 = arith.constant 0 : i32
    %dma_start3A_48 = tpu.memref_slice %arg2[%dma_start3A_46, %dma_start3A_47] : memref<8192x64xf32, #tpu.memory_space<hbm>> -> memref<8192x64xf32, #tpu.memory_space<hbm>>
    tpu.enqueue_indirect_dma source(%dma_start3A_48 : memref<8192x64xf32, #tpu.memory_space<hbm>>) target(%dma_start3A_42 : memref<128x64xf32, #tpu.memory_space<vmem>>) offsets(%dma_start3A_45 : memref<128xi32, #tpu.memory_space<vmem>>) semaphore(%arg7 : memref<!tpu.dma_semaphore, #tpu.memory_space<semaphore_mem>>)
    %dma_wait3A_49 = arith.constant 2 : i32
    %dma_wait3A_50 = arith.constant 256 : i32
    %dma_wait3A_51 = arith.constant 0 : i32
    %dma_wait3A_52 = tpu.memref_slice %arg6[%dma_wait3A_50, %dma_wait3A_51] : memref<512x64xf32, #tpu.memory_space<vmem>> -> memref<128x64xf32, #tpu.memory_space<vmem>>
    %dma_wait3A_53 = arith.constant 0 : i32
    %dma_wait3A_54 = tpu.memref_slice %arg5[%dma_wait3A_49, %dma_wait3A_53] : memref<4x128xi32, #tpu.memory_space<vmem>> -> memref<1x128xi32, #tpu.memory_space<vmem>>
    %dma_wait3A_55 = tpu.memref_squeeze %dma_wait3A_54 : memref<1x128xi32, #tpu.memory_space<vmem>> -> memref<128xi32, #tpu.memory_space<vmem>>
    %dma_wait3A_56 = arith.constant 0 : i32
    %dma_wait3A_57 = arith.constant 0 : i32
    %dma_wait3A_58 = tpu.memref_slice %arg2[%dma_wait3A_56, %dma_wait3A_57] : memref<8192x64xf32, #tpu.memory_space<hbm>> -> memref<8192x64xf32, #tpu.memory_space<hbm>>
    tpu.wait_indirect_dma semaphore(%arg7 : memref<!tpu.dma_semaphore, #tpu.memory_space<semaphore_mem>>) src(%dma_wait3A_58 : memref<8192x64xf32, #tpu.memory_space<hbm>>) dst(%dma_wait3A_52 : memref<128x64xf32, #tpu.memory_space<vmem>>)
    %dma_start3A_59 = arith.constant 3 : i32
    %dma_start3A_60 = arith.constant 384 : i32
    %dma_start3A_61 = arith.constant 0 : i32
    %dma_start3A_62 = tpu.memref_slice %arg6[%dma_start3A_60, %dma_start3A_61] : memref<512x64xf32, #tpu.memory_space<vmem>> -> memref<128x64xf32, #tpu.memory_space<vmem>>
    %dma_start3A_63 = arith.constant 0 : i32
    %dma_start3A_64 = tpu.memref_slice %arg5[%dma_start3A_59, %dma_start3A_63] : memref<4x128xi32, #tpu.memory_space<vmem>> -> memref<1x128xi32, #tpu.memory_space<vmem>>
    %dma_start3A_65 = tpu.memref_squeeze %dma_start3A_64 : memref<1x128xi32, #tpu.memory_space<vmem>> -> memref<128xi32, #tpu.memory_space<vmem>>
    %dma_start3A_66 = arith.constant 0 : i32
    %dma_start3A_67 = arith.constant 0 : i32
    %dma_start3A_68 = tpu.memref_slice %arg2[%dma_start3A_66, %dma_start3A_67] : memref<8192x64xf32, #tpu.memory_space<hbm>> -> memref<8192x64xf32, #tpu.memory_space<hbm>>
    tpu.enqueue_indirect_dma source(%dma_start3A_68 : memref<8192x64xf32, #tpu.memory_space<hbm>>) target(%dma_start3A_62 : memref<128x64xf32, #tpu.memory_space<vmem>>) offsets(%dma_start3A_65 : memref<128xi32, #tpu.memory_space<vmem>>) semaphore(%arg7 : memref<!tpu.dma_semaphore, #tpu.memory_space<semaphore_mem>>)
    %dma_wait3A_69 = arith.constant 3 : i32
    %dma_wait3A_70 = arith.constant 384 : i32
    %dma_wait3A_71 = arith.constant 0 : i32
    %dma_wait3A_72 = tpu.memref_slice %arg6[%dma_wait3A_70, %dma_wait3A_71] : memref<512x64xf32, #tpu.memory_space<vmem>> -> memref<128x64xf32, #tpu.memory_space<vmem>>
    %dma_wait3A_73 = arith.constant 0 : i32
    %dma_wait3A_74 = tpu.memref_slice %arg5[%dma_wait3A_69, %dma_wait3A_73] : memref<4x128xi32, #tpu.memory_space<vmem>> -> memref<1x128xi32, #tpu.memory_space<vmem>>
    %dma_wait3A_75 = tpu.memref_squeeze %dma_wait3A_74 : memref<1x128xi32, #tpu.memory_space<vmem>> -> memref<128xi32, #tpu.memory_space<vmem>>
    %dma_wait3A_76 = arith.constant 0 : i32
    %dma_wait3A_77 = arith.constant 0 : i32
    %dma_wait3A_78 = tpu.memref_slice %arg2[%dma_wait3A_76, %dma_wait3A_77] : memref<8192x64xf32, #tpu.memory_space<hbm>> -> memref<8192x64xf32, #tpu.memory_space<hbm>>
    tpu.wait_indirect_dma semaphore(%arg7 : memref<!tpu.dma_semaphore, #tpu.memory_space<semaphore_mem>>) src(%dma_wait3A_78 : memref<8192x64xf32, #tpu.memory_space<hbm>>) dst(%dma_wait3A_72 : memref<128x64xf32, #tpu.memory_space<vmem>>)
    %mul3A_79 = arith.constant 512 : i32
    %mul3A_80 = arith.muli %add3A, %mul3A_79 : i32
    "tpu.region"() ({
      %run_scoped3A = tpu.sem_alloc : memref<!tpu.dma_semaphore, #tpu.memory_space<semaphore_mem>>
      %dma_start3A_81 = arith.constant 0 : i32
      %dma_start3A_82 = tpu.memref_slice %arg4[%mul3A_80, %dma_start3A_81] : memref<16384x64xf32, #tpu.memory_space<hbm>> -> memref<512x64xf32, #tpu.memory_space<hbm>>
      %dma_start3A_83 = arith.constant 0 : i32
      %dma_start3A_84 = tpu.memref_slice %arg4[%mul3A_80, %dma_start3A_83] : memref<16384x64xf32, #tpu.memory_space<hbm>> -> memref<512x64xf32, #tpu.memory_space<hbm>>
      tpu.enqueue_dma source(%arg6 : memref<512x64xf32, #tpu.memory_space<vmem>>) target(%dma_start3A_84 : memref<512x64xf32, #tpu.memory_space<hbm>>) target_semaphore(%run_scoped3A : memref<!tpu.dma_semaphore, #tpu.memory_space<semaphore_mem>>)
      %dma_wait3A_85 = arith.constant 0 : i32
      %dma_wait3A_86 = tpu.memref_slice %arg4[%mul3A_80, %dma_wait3A_85] : memref<16384x64xf32, #tpu.memory_space<hbm>> -> memref<512x64xf32, #tpu.memory_space<hbm>>
      %dma_wait3A_87 = arith.constant 0 : i32
      %dma_wait3A_88 = tpu.memref_slice %arg4[%mul3A_80, %dma_wait3A_87] : memref<16384x64xf32, #tpu.memory_space<hbm>> -> memref<512x64xf32, #tpu.memory_space<hbm>>
      tpu.wait_dma2 semaphore(%run_scoped3A : memref<!tpu.dma_semaphore, #tpu.memory_space<semaphore_mem>>) src(%arg6 : memref<512x64xf32, #tpu.memory_space<vmem>>) dst(%dma_wait3A_88 : memref<512x64xf32, #tpu.memory_space<hbm>>)
      tpu.yield
    }) : () -> ()
    return
  }
}

#map = affine_map<(d0, d1) -> (0, 0)>
#map1 = affine_map<(d0, d1) -> (0, 0, 0)>
module attributes {stable_mosaic.version = 14 : i64} {
  func.func @_sc_scatter(%arg0: i32, %arg1: i32, %arg2: memref<16384x64xf32, #tpu.memory_space<hbm>>, %arg3: memref<32x4x128xi32, #tpu.memory_space<hbm>>, %arg4: memref<8192x64xf32, #tpu.memory_space<hbm>>, %arg5: memref<4x128xi32, #tpu.memory_space<vmem>>, %arg6: memref<512x64xf32, #tpu.memory_space<vmem>>, %arg7: memref<256x64xf32, #tpu.memory_space<vmem>>, %arg8: memref<4096x64xf32, #tpu.memory_space<vmem_shared>>, %arg9: memref<!tpu.dma_semaphore, #tpu.memory_space<semaphore_mem>>) attributes {dimension_semantics = [#tpu.dimension_semantics<core_parallel>, #tpu.dimension_semantics<subcore_parallel>], iteration_bounds = array<i64: 2, 16>, scalar_prefetch = 0 : i64, scratch_operands = 5 : i64, tpu.core_type = #tpu.core_type<sc_vector_subcore>, window_params = [{transform_indices = #map}, {transform_indices = #map1}, {transform_indices = #map}]} {
    %mul3A = arith.constant 2 : i32
    %mul3A_0 = arith.muli %arg1, %mul3A : i32
    %add3A = arith.addi %mul3A_0, %arg0 : i32
    "tpu.region"() ({
      %run_scoped3A_18 = tpu.sem_alloc : memref<!tpu.dma_semaphore, #tpu.memory_space<semaphore_mem>>
      %dma_start3A = arith.constant 0 : i32
      %dma_start3A_19 = arith.constant 0 : i32
      %dma_start3A_20 = tpu.memref_slice %arg3[%add3A, %dma_start3A, %dma_start3A_19] : memref<32x4x128xi32, #tpu.memory_space<hbm>> -> memref<1x4x128xi32, #tpu.memory_space<hbm>>
      %dma_start3A_21 = tpu.memref_squeeze %dma_start3A_20 : memref<1x4x128xi32, #tpu.memory_space<hbm>> -> memref<4x128xi32, #tpu.memory_space<hbm>>
      %dma_start3A_22 = arith.constant 0 : i32
      %dma_start3A_23 = arith.constant 0 : i32
      %dma_start3A_24 = tpu.memref_slice %arg3[%add3A, %dma_start3A_22, %dma_start3A_23] : memref<32x4x128xi32, #tpu.memory_space<hbm>> -> memref<1x4x128xi32, #tpu.memory_space<hbm>>
      %dma_start3A_25 = tpu.memref_squeeze %dma_start3A_24 : memref<1x4x128xi32, #tpu.memory_space<hbm>> -> memref<4x128xi32, #tpu.memory_space<hbm>>
      tpu.enqueue_dma source(%dma_start3A_25 : memref<4x128xi32, #tpu.memory_space<hbm>>) target(%arg5 : memref<4x128xi32, #tpu.memory_space<vmem>>) target_semaphore(%run_scoped3A_18 : memref<!tpu.dma_semaphore, #tpu.memory_space<semaphore_mem>>)
      %dma_wait3A = arith.constant 0 : i32
      %dma_wait3A_26 = arith.constant 0 : i32
      %dma_wait3A_27 = tpu.memref_slice %arg3[%add3A, %dma_wait3A, %dma_wait3A_26] : memref<32x4x128xi32, #tpu.memory_space<hbm>> -> memref<1x4x128xi32, #tpu.memory_space<hbm>>
      %dma_wait3A_28 = tpu.memref_squeeze %dma_wait3A_27 : memref<1x4x128xi32, #tpu.memory_space<hbm>> -> memref<4x128xi32, #tpu.memory_space<hbm>>
      %dma_wait3A_29 = arith.constant 0 : i32
      %dma_wait3A_30 = arith.constant 0 : i32
      %dma_wait3A_31 = tpu.memref_slice %arg3[%add3A, %dma_wait3A_29, %dma_wait3A_30] : memref<32x4x128xi32, #tpu.memory_space<hbm>> -> memref<1x4x128xi32, #tpu.memory_space<hbm>>
      %dma_wait3A_32 = tpu.memref_squeeze %dma_wait3A_31 : memref<1x4x128xi32, #tpu.memory_space<hbm>> -> memref<4x128xi32, #tpu.memory_space<hbm>>
      tpu.wait_dma2 semaphore(%run_scoped3A_18 : memref<!tpu.dma_semaphore, #tpu.memory_space<semaphore_mem>>) src(%dma_wait3A_32 : memref<4x128xi32, #tpu.memory_space<hbm>>) dst(%arg5 : memref<4x128xi32, #tpu.memory_space<vmem>>)
      tpu.yield
    }) : () -> ()
    %mul3A_1 = arith.constant 512 : i32
    %mul3A_2 = arith.muli %add3A, %mul3A_1 : i32
    "tpu.region"() ({
      %run_scoped3A_18 = tpu.sem_alloc : memref<!tpu.dma_semaphore, #tpu.memory_space<semaphore_mem>>
      %dma_start3A = arith.constant 0 : i32
      %dma_start3A_19 = tpu.memref_slice %arg2[%mul3A_2, %dma_start3A] : memref<16384x64xf32, #tpu.memory_space<hbm>> -> memref<512x64xf32, #tpu.memory_space<hbm>>
      %dma_start3A_20 = arith.constant 0 : i32
      %dma_start3A_21 = tpu.memref_slice %arg2[%mul3A_2, %dma_start3A_20] : memref<16384x64xf32, #tpu.memory_space<hbm>> -> memref<512x64xf32, #tpu.memory_space<hbm>>
      tpu.enqueue_dma source(%dma_start3A_21 : memref<512x64xf32, #tpu.memory_space<hbm>>) target(%arg6 : memref<512x64xf32, #tpu.memory_space<vmem>>) target_semaphore(%run_scoped3A_18 : memref<!tpu.dma_semaphore, #tpu.memory_space<semaphore_mem>>)
      %dma_wait3A = arith.constant 0 : i32
      %dma_wait3A_22 = tpu.memref_slice %arg2[%mul3A_2, %dma_wait3A] : memref<16384x64xf32, #tpu.memory_space<hbm>> -> memref<512x64xf32, #tpu.memory_space<hbm>>
      %dma_wait3A_23 = arith.constant 0 : i32
      %dma_wait3A_24 = tpu.memref_slice %arg2[%mul3A_2, %dma_wait3A_23] : memref<16384x64xf32, #tpu.memory_space<hbm>> -> memref<512x64xf32, #tpu.memory_space<hbm>>
      tpu.wait_dma2 semaphore(%run_scoped3A_18 : memref<!tpu.dma_semaphore, #tpu.memory_space<semaphore_mem>>) src(%dma_wait3A_24 : memref<512x64xf32, #tpu.memory_space<hbm>>) dst(%arg6 : memref<512x64xf32, #tpu.memory_space<vmem>>)
      tpu.yield
    }) : () -> ()
    %broadcast_in_dim3A = arith.constant 0.000000e+00 : f32
    %broadcast_in_dim3A_3 = vector.broadcast %broadcast_in_dim3A : f32 to vector<16xf32>
    %scan3A = arith.constant 0 : i32
    %scan3A_4 = arith.constant 0 : i32
    %scan3A_5 = arith.constant 256 : i32
    %scan3A_6 = arith.addi %scan3A_4, %scan3A_5 : i32
    %scan3A_7 = arith.constant 1 : i32
    scf.for %scan3A_18 = %scan3A_4 to %scan3A_6 step %scan3A_7  : i32 {
      %swap3A = arith.index_cast %scan3A_18 : i32 to index
      %swap3A_19 = arith.constant 0 : index
      %swap3A_20 = tpu.vector_load %arg7[%swap3A, %swap3A_19] {strides = array<i32>} : memref<256x64xf32, #tpu.memory_space<vmem>>, vector<1x16xf32>,
      %swap3A_21 = vector.shape_cast %swap3A_20 : vector<1x16xf32> to vector<16xf32>
      %swap3A_22 = vector.shape_cast %broadcast_in_dim3A_3 : vector<16xf32> to vector<1x16xf32>
      tpu.vector_store %arg7[%swap3A, %swap3A_19], %swap3A_22 {strides = array<i32>} : memref<256x64xf32, #tpu.memory_space<vmem>>, vector<1x16xf32>,
      %swap3A_23 = arith.index_cast %scan3A_18 : i32 to index
      %swap3A_24 = arith.constant 16 : index
      %swap3A_25 = tpu.vector_load %arg7[%swap3A_23, %swap3A_24] {strides = array<i32>} : memref<256x64xf32, #tpu.memory_space<vmem>>, vector<1x16xf32>,
      %swap3A_26 = vector.shape_cast %swap3A_25 : vector<1x16xf32> to vector<16xf32>
      %swap3A_27 = vector.shape_cast %broadcast_in_dim3A_3 : vector<16xf32> to vector<1x16xf32>
      tpu.vector_store %arg7[%swap3A_23, %swap3A_24], %swap3A_27 {strides = array<i32>} : memref<256x64xf32, #tpu.memory_space<vmem>>, vector<1x16xf32>,
      %swap3A_28 = arith.index_cast %scan3A_18 : i32 to index
      %swap3A_29 = arith.constant 32 : index
      %swap3A_30 = tpu.vector_load %arg7[%swap3A_28, %swap3A_29] {strides = array<i32>} : memref<256x64xf32, #tpu.memory_space<vmem>>, vector<1x16xf32>,
      %swap3A_31 = vector.shape_cast %swap3A_30 : vector<1x16xf32> to vector<16xf32>
      %swap3A_32 = vector.shape_cast %broadcast_in_dim3A_3 : vector<16xf32> to vector<1x16xf32>
      tpu.vector_store %arg7[%swap3A_28, %swap3A_29], %swap3A_32 {strides = array<i32>} : memref<256x64xf32, #tpu.memory_space<vmem>>, vector<1x16xf32>,
      %swap3A_33 = arith.index_cast %scan3A_18 : i32 to index
      %swap3A_34 = arith.constant 48 : index
      %swap3A_35 = tpu.vector_load %arg7[%swap3A_33, %swap3A_34] {strides = array<i32>} : memref<256x64xf32, #tpu.memory_space<vmem>>, vector<1x16xf32>,
      %swap3A_36 = vector.shape_cast %swap3A_35 : vector<1x16xf32> to vector<16xf32>
      %swap3A_37 = vector.shape_cast %broadcast_in_dim3A_3 : vector<16xf32> to vector<1x16xf32>
      tpu.vector_store %arg7[%swap3A_33, %swap3A_34], %swap3A_37 {strides = array<i32>} : memref<256x64xf32, #tpu.memory_space<vmem>>, vector<1x16xf32>,
    }
    %scan3A_8 = arith.constant 256 : i32
    %mul3A_9 = arith.constant 256 : i32
    %mul3A_10 = arith.muli %arg1, %mul3A_9 : i32
    "tpu.region"() ({
      %run_scoped3A_18 = tpu.sem_alloc : memref<!tpu.dma_semaphore, #tpu.memory_space<semaphore_mem>>
      %dma_start3A = arith.constant 0 : i32
      %dma_start3A_19 = tpu.memref_slice %arg8[%mul3A_10, %dma_start3A] : memref<4096x64xf32, #tpu.memory_space<vmem_shared>> -> memref<256x64xf32, #tpu.memory_space<vmem_shared>>
      %dma_start3A_20 = arith.constant 0 : i32
      %dma_start3A_21 = tpu.memref_slice %arg8[%mul3A_10, %dma_start3A_20] : memref<4096x64xf32, #tpu.memory_space<vmem_shared>> -> memref<256x64xf32, #tpu.memory_space<vmem_shared>>
      tpu.enqueue_dma source(%arg7 : memref<256x64xf32, #tpu.memory_space<vmem>>) target(%dma_start3A_21 : memref<256x64xf32, #tpu.memory_space<vmem_shared>>) target_semaphore(%run_scoped3A_18 : memref<!tpu.dma_semaphore, #tpu.memory_space<semaphore_mem>>)
      %dma_wait3A = arith.constant 0 : i32
      %dma_wait3A_22 = tpu.memref_slice %arg8[%mul3A_10, %dma_wait3A] : memref<4096x64xf32, #tpu.memory_space<vmem_shared>> -> memref<256x64xf32, #tpu.memory_space<vmem_shared>>
      %dma_wait3A_23 = arith.constant 0 : i32
      %dma_wait3A_24 = tpu.memref_slice %arg8[%mul3A_10, %dma_wait3A_23] : memref<4096x64xf32, #tpu.memory_space<vmem_shared>> -> memref<256x64xf32, #tpu.memory_space<vmem_shared>>
      tpu.wait_dma2 semaphore(%run_scoped3A_18 : memref<!tpu.dma_semaphore, #tpu.memory_space<semaphore_mem>>) src(%arg7 : memref<256x64xf32, #tpu.memory_space<vmem>>) dst(%dma_wait3A_24 : memref<256x64xf32, #tpu.memory_space<vmem_shared>>)
      tpu.yield
    }) : () -> ()
    %run_scoped3A = arith.constant 0 : i32
    "tpu.region"() ({
      %run_scoped3A_18 = tpu.sem_alloc : memref<!tpu.dma_semaphore, #tpu.memory_space<semaphore_mem>>
      %dma_start3A = arith.constant 0 : i32
      %dma_start3A_19 = arith.constant 0 : i32
      %dma_start3A_20 = tpu.memref_slice %arg6[%dma_start3A, %dma_start3A_19] : memref<512x64xf32, #tpu.memory_space<vmem>> -> memref<128x64xf32, #tpu.memory_space<vmem>>
      %dma_start3A_21 = arith.constant 0 : i32
      %dma_start3A_22 = tpu.memref_slice %arg5[%run_scoped3A, %dma_start3A_21] : memref<4x128xi32, #tpu.memory_space<vmem>> -> memref<1x128xi32, #tpu.memory_space<vmem>>
      %dma_start3A_23 = tpu.memref_squeeze %dma_start3A_22 : memref<1x128xi32, #tpu.memory_space<vmem>> -> memref<128xi32, #tpu.memory_space<vmem>>
      %dma_start3A_24 = arith.constant 0 : i32
      %dma_start3A_25 = arith.constant 0 : i32
      %dma_start3A_26 = tpu.memref_slice %arg8[%dma_start3A_24, %dma_start3A_25] : memref<4096x64xf32, #tpu.memory_space<vmem_shared>> -> memref<4096x64xf32, #tpu.memory_space<vmem_shared>>
      tpu.enqueue_indirect_dma source(%dma_start3A_20 : memref<128x64xf32, #tpu.memory_space<vmem>>) target(%dma_start3A_26 : memref<4096x64xf32, #tpu.memory_space<vmem_shared>>) offsets(%dma_start3A_23 : memref<128xi32, #tpu.memory_space<vmem>>) semaphore(%run_scoped3A_18 : memref<!tpu.dma_semaphore, #tpu.memory_space<semaphore_mem>>) {add = true}
      %dma_wait3A = arith.constant 0 : i32
      %dma_wait3A_27 = arith.constant 0 : i32
      %dma_wait3A_28 = tpu.memref_slice %arg6[%dma_wait3A, %dma_wait3A_27] : memref<512x64xf32, #tpu.memory_space<vmem>> -> memref<128x64xf32, #tpu.memory_space<vmem>>
      %dma_wait3A_29 = arith.constant 0 : i32
      %dma_wait3A_30 = tpu.memref_slice %arg5[%run_scoped3A, %dma_wait3A_29] : memref<4x128xi32, #tpu.memory_space<vmem>> -> memref<1x128xi32, #tpu.memory_space<vmem>>
      %dma_wait3A_31 = tpu.memref_squeeze %dma_wait3A_30 : memref<1x128xi32, #tpu.memory_space<vmem>> -> memref<128xi32, #tpu.memory_space<vmem>>
      %dma_wait3A_32 = arith.constant 0 : i32
      %dma_wait3A_33 = arith.constant 0 : i32
      %dma_wait3A_34 = tpu.memref_slice %arg8[%dma_wait3A_32, %dma_wait3A_33] : memref<4096x64xf32, #tpu.memory_space<vmem_shared>> -> memref<4096x64xf32, #tpu.memory_space<vmem_shared>>
      tpu.wait_indirect_dma semaphore(%run_scoped3A_18 : memref<!tpu.dma_semaphore, #tpu.memory_space<semaphore_mem>>) src(%dma_wait3A_28 : memref<128x64xf32, #tpu.memory_space<vmem>>) dst(%dma_wait3A_34 : memref<4096x64xf32, #tpu.memory_space<vmem_shared>>)
      tpu.yield
    }) : () -> ()
    %run_scoped3A_11 = arith.constant 1 : i32
    "tpu.region"() ({
      %run_scoped3A_18 = tpu.sem_alloc : memref<!tpu.dma_semaphore, #tpu.memory_space<semaphore_mem>>
      %dma_start3A = arith.constant 128 : i32
      %dma_start3A_19 = arith.constant 0 : i32
      %dma_start3A_20 = tpu.memref_slice %arg6[%dma_start3A, %dma_start3A_19] : memref<512x64xf32, #tpu.memory_space<vmem>> -> memref<128x64xf32, #tpu.memory_space<vmem>>
      %dma_start3A_21 = arith.constant 0 : i32
      %dma_start3A_22 = tpu.memref_slice %arg5[%run_scoped3A_11, %dma_start3A_21] : memref<4x128xi32, #tpu.memory_space<vmem>> -> memref<1x128xi32, #tpu.memory_space<vmem>>
      %dma_start3A_23 = tpu.memref_squeeze %dma_start3A_22 : memref<1x128xi32, #tpu.memory_space<vmem>> -> memref<128xi32, #tpu.memory_space<vmem>>
      %dma_start3A_24 = arith.constant 0 : i32
      %dma_start3A_25 = arith.constant 0 : i32
      %dma_start3A_26 = tpu.memref_slice %arg8[%dma_start3A_24, %dma_start3A_25] : memref<4096x64xf32, #tpu.memory_space<vmem_shared>> -> memref<4096x64xf32, #tpu.memory_space<vmem_shared>>
      tpu.enqueue_indirect_dma source(%dma_start3A_20 : memref<128x64xf32, #tpu.memory_space<vmem>>) target(%dma_start3A_26 : memref<4096x64xf32, #tpu.memory_space<vmem_shared>>) offsets(%dma_start3A_23 : memref<128xi32, #tpu.memory_space<vmem>>) semaphore(%run_scoped3A_18 : memref<!tpu.dma_semaphore, #tpu.memory_space<semaphore_mem>>) {add = true}
      %dma_wait3A = arith.constant 128 : i32
      %dma_wait3A_27 = arith.constant 0 : i32
      %dma_wait3A_28 = tpu.memref_slice %arg6[%dma_wait3A, %dma_wait3A_27] : memref<512x64xf32, #tpu.memory_space<vmem>> -> memref<128x64xf32, #tpu.memory_space<vmem>>
      %dma_wait3A_29 = arith.constant 0 : i32
      %dma_wait3A_30 = tpu.memref_slice %arg5[%run_scoped3A_11, %dma_wait3A_29] : memref<4x128xi32, #tpu.memory_space<vmem>> -> memref<1x128xi32, #tpu.memory_space<vmem>>
      %dma_wait3A_31 = tpu.memref_squeeze %dma_wait3A_30 : memref<1x128xi32, #tpu.memory_space<vmem>> -> memref<128xi32, #tpu.memory_space<vmem>>
      %dma_wait3A_32 = arith.constant 0 : i32
      %dma_wait3A_33 = arith.constant 0 : i32
      %dma_wait3A_34 = tpu.memref_slice %arg8[%dma_wait3A_32, %dma_wait3A_33] : memref<4096x64xf32, #tpu.memory_space<vmem_shared>> -> memref<4096x64xf32, #tpu.memory_space<vmem_shared>>
      tpu.wait_indirect_dma semaphore(%run_scoped3A_18 : memref<!tpu.dma_semaphore, #tpu.memory_space<semaphore_mem>>) src(%dma_wait3A_28 : memref<128x64xf32, #tpu.memory_space<vmem>>) dst(%dma_wait3A_34 : memref<4096x64xf32, #tpu.memory_space<vmem_shared>>)
      tpu.yield
    }) : () -> ()
    %run_scoped3A_12 = arith.constant 2 : i32
    "tpu.region"() ({
      %run_scoped3A_18 = tpu.sem_alloc : memref<!tpu.dma_semaphore, #tpu.memory_space<semaphore_mem>>
      %dma_start3A = arith.constant 256 : i32
      %dma_start3A_19 = arith.constant 0 : i32
      %dma_start3A_20 = tpu.memref_slice %arg6[%dma_start3A, %dma_start3A_19] : memref<512x64xf32, #tpu.memory_space<vmem>> -> memref<128x64xf32, #tpu.memory_space<vmem>>
      %dma_start3A_21 = arith.constant 0 : i32
      %dma_start3A_22 = tpu.memref_slice %arg5[%run_scoped3A_12, %dma_start3A_21] : memref<4x128xi32, #tpu.memory_space<vmem>> -> memref<1x128xi32, #tpu.memory_space<vmem>>
      %dma_start3A_23 = tpu.memref_squeeze %dma_start3A_22 : memref<1x128xi32, #tpu.memory_space<vmem>> -> memref<128xi32, #tpu.memory_space<vmem>>
      %dma_start3A_24 = arith.constant 0 : i32
      %dma_start3A_25 = arith.constant 0 : i32
      %dma_start3A_26 = tpu.memref_slice %arg8[%dma_start3A_24, %dma_start3A_25] : memref<4096x64xf32, #tpu.memory_space<vmem_shared>> -> memref<4096x64xf32, #tpu.memory_space<vmem_shared>>
      tpu.enqueue_indirect_dma source(%dma_start3A_20 : memref<128x64xf32, #tpu.memory_space<vmem>>) target(%dma_start3A_26 : memref<4096x64xf32, #tpu.memory_space<vmem_shared>>) offsets(%dma_start3A_23 : memref<128xi32, #tpu.memory_space<vmem>>) semaphore(%run_scoped3A_18 : memref<!tpu.dma_semaphore, #tpu.memory_space<semaphore_mem>>) {add = true}
      %dma_wait3A = arith.constant 256 : i32
      %dma_wait3A_27 = arith.constant 0 : i32
      %dma_wait3A_28 = tpu.memref_slice %arg6[%dma_wait3A, %dma_wait3A_27] : memref<512x64xf32, #tpu.memory_space<vmem>> -> memref<128x64xf32, #tpu.memory_space<vmem>>
      %dma_wait3A_29 = arith.constant 0 : i32
      %dma_wait3A_30 = tpu.memref_slice %arg5[%run_scoped3A_12, %dma_wait3A_29] : memref<4x128xi32, #tpu.memory_space<vmem>> -> memref<1x128xi32, #tpu.memory_space<vmem>>
      %dma_wait3A_31 = tpu.memref_squeeze %dma_wait3A_30 : memref<1x128xi32, #tpu.memory_space<vmem>> -> memref<128xi32, #tpu.memory_space<vmem>>
      %dma_wait3A_32 = arith.constant 0 : i32
      %dma_wait3A_33 = arith.constant 0 : i32
      %dma_wait3A_34 = tpu.memref_slice %arg8[%dma_wait3A_32, %dma_wait3A_33] : memref<4096x64xf32, #tpu.memory_space<vmem_shared>> -> memref<4096x64xf32, #tpu.memory_space<vmem_shared>>
      tpu.wait_indirect_dma semaphore(%run_scoped3A_18 : memref<!tpu.dma_semaphore, #tpu.memory_space<semaphore_mem>>) src(%dma_wait3A_28 : memref<128x64xf32, #tpu.memory_space<vmem>>) dst(%dma_wait3A_34 : memref<4096x64xf32, #tpu.memory_space<vmem_shared>>)
      tpu.yield
    }) : () -> ()
    %run_scoped3A_13 = arith.constant 3 : i32
    "tpu.region"() ({
      %run_scoped3A_18 = tpu.sem_alloc : memref<!tpu.dma_semaphore, #tpu.memory_space<semaphore_mem>>
      %dma_start3A = arith.constant 384 : i32
      %dma_start3A_19 = arith.constant 0 : i32
      %dma_start3A_20 = tpu.memref_slice %arg6[%dma_start3A, %dma_start3A_19] : memref<512x64xf32, #tpu.memory_space<vmem>> -> memref<128x64xf32, #tpu.memory_space<vmem>>
      %dma_start3A_21 = arith.constant 0 : i32
      %dma_start3A_22 = tpu.memref_slice %arg5[%run_scoped3A_13, %dma_start3A_21] : memref<4x128xi32, #tpu.memory_space<vmem>> -> memref<1x128xi32, #tpu.memory_space<vmem>>
      %dma_start3A_23 = tpu.memref_squeeze %dma_start3A_22 : memref<1x128xi32, #tpu.memory_space<vmem>> -> memref<128xi32, #tpu.memory_space<vmem>>
      %dma_start3A_24 = arith.constant 0 : i32
      %dma_start3A_25 = arith.constant 0 : i32
      %dma_start3A_26 = tpu.memref_slice %arg8[%dma_start3A_24, %dma_start3A_25] : memref<4096x64xf32, #tpu.memory_space<vmem_shared>> -> memref<4096x64xf32, #tpu.memory_space<vmem_shared>>
      tpu.enqueue_indirect_dma source(%dma_start3A_20 : memref<128x64xf32, #tpu.memory_space<vmem>>) target(%dma_start3A_26 : memref<4096x64xf32, #tpu.memory_space<vmem_shared>>) offsets(%dma_start3A_23 : memref<128xi32, #tpu.memory_space<vmem>>) semaphore(%run_scoped3A_18 : memref<!tpu.dma_semaphore, #tpu.memory_space<semaphore_mem>>) {add = true}
      %dma_wait3A = arith.constant 384 : i32
      %dma_wait3A_27 = arith.constant 0 : i32
      %dma_wait3A_28 = tpu.memref_slice %arg6[%dma_wait3A, %dma_wait3A_27] : memref<512x64xf32, #tpu.memory_space<vmem>> -> memref<128x64xf32, #tpu.memory_space<vmem>>
      %dma_wait3A_29 = arith.constant 0 : i32
      %dma_wait3A_30 = tpu.memref_slice %arg5[%run_scoped3A_13, %dma_wait3A_29] : memref<4x128xi32, #tpu.memory_space<vmem>> -> memref<1x128xi32, #tpu.memory_space<vmem>>
      %dma_wait3A_31 = tpu.memref_squeeze %dma_wait3A_30 : memref<1x128xi32, #tpu.memory_space<vmem>> -> memref<128xi32, #tpu.memory_space<vmem>>
      %dma_wait3A_32 = arith.constant 0 : i32
      %dma_wait3A_33 = arith.constant 0 : i32
      %dma_wait3A_34 = tpu.memref_slice %arg8[%dma_wait3A_32, %dma_wait3A_33] : memref<4096x64xf32, #tpu.memory_space<vmem_shared>> -> memref<4096x64xf32, #tpu.memory_space<vmem_shared>>
      tpu.wait_indirect_dma semaphore(%run_scoped3A_18 : memref<!tpu.dma_semaphore, #tpu.memory_space<semaphore_mem>>) src(%dma_wait3A_28 : memref<128x64xf32, #tpu.memory_space<vmem>>) dst(%dma_wait3A_34 : memref<4096x64xf32, #tpu.memory_space<vmem_shared>>)
      tpu.yield
    }) : () -> ()
    %mul3A_14 = arith.constant 256 : i32
    %mul3A_15 = arith.muli %arg1, %mul3A_14 : i32
    %mul3A_16 = arith.constant 256 : i32
    %mul3A_17 = arith.muli %add3A, %mul3A_16 : i32
    "tpu.region"() ({
      %run_scoped3A_18 = tpu.sem_alloc : memref<!tpu.dma_semaphore, #tpu.memory_space<semaphore_mem>>
      %dma_start3A = arith.constant 0 : i32
      %dma_start3A_19 = tpu.memref_slice %arg4[%mul3A_17, %dma_start3A] : memref<8192x64xf32, #tpu.memory_space<hbm>> -> memref<256x64xf32, #tpu.memory_space<hbm>>
      %dma_start3A_20 = arith.constant 0 : i32
      %dma_start3A_21 = tpu.memref_slice %arg8[%mul3A_15, %dma_start3A_20] : memref<4096x64xf32, #tpu.memory_space<vmem_shared>> -> memref<256x64xf32, #tpu.memory_space<vmem_shared>>
      tpu.enqueue_dma source(%dma_start3A_21 : memref<256x64xf32, #tpu.memory_space<vmem_shared>>) target(%dma_start3A_19 : memref<256x64xf32, #tpu.memory_space<hbm>>) target_semaphore(%run_scoped3A_18 : memref<!tpu.dma_semaphore, #tpu.memory_space<semaphore_mem>>)
      %dma_wait3A = arith.constant 0 : i32
      %dma_wait3A_22 = tpu.memref_slice %arg4[%mul3A_17, %dma_wait3A] : memref<8192x64xf32, #tpu.memory_space<hbm>> -> memref<256x64xf32, #tpu.memory_space<hbm>>
      %dma_wait3A_23 = arith.constant 0 : i32
      %dma_wait3A_24 = tpu.memref_slice %arg8[%mul3A_15, %dma_wait3A_23] : memref<4096x64xf32, #tpu.memory_space<vmem_shared>> -> memref<256x64xf32, #tpu.memory_space<vmem_shared>>
      tpu.wait_dma2 semaphore(%run_scoped3A_18 : memref<!tpu.dma_semaphore, #tpu.memory_space<semaphore_mem>>) src(%dma_wait3A_24 : memref<256x64xf32, #tpu.memory_space<vmem_shared>>) dst(%dma_wait3A_22 : memref<256x64xf32, #tpu.memory_space<hbm>>)
      tpu.yield
    }) : () -> ()
    return
  }
}

module attributes {stable_mosaic.version = 14 : i64} {
  func.func @_tc_kernel(%arg0: i32, %arg1: memref<4096x64xf32, #tpu.memory_space<vmem>>, %arg2: memref<4096x16xf32, #tpu.memory_space<vmem>>, %arg3: memref<1024x64xbf16, #tpu.memory_space<vmem>>, %arg4: memref<16x1024xbf16, #tpu.memory_space<vmem>>, %arg5: memref<4096x64xf32, #tpu.memory_space<vmem>>) attributes {dimension_semantics = [#tpu.dimension_semantics<arbitrary>], iteration_bounds = array<i64: 4>, scalar_prefetch = 0 : i64, scratch_operands = 0 : i64, tpu.core_type = #tpu.core_type<tc>, window_params = [{transform_indices = @transform_0, window_bounds = array<i64: 4096, 64>}, {transform_indices = @transform_1, window_bounds = array<i64: 4096, 16>}, {pipeline_mode = #tpu.pipeline_mode<synchronous>, transform_indices = @transform_2, window_bounds = array<i64: 1024, 64>}, {pipeline_mode = #tpu.pipeline_mode<synchronous>, transform_indices = @transform_3, window_bounds = array<i64: 16, 1024>}, {transform_indices = @transform_4, window_bounds = array<i64: 4096, 64>}]} {
    %get3A = arith.constant 0 : index
    %get3A_0 = arith.constant 0 : index
    %get3A_1 = vector.load %arg1[%get3A, %get3A_0] : memref<4096x64xf32, #tpu.memory_space<vmem>>, vector<4096x64xf32>
    %convert_element_type3A = arith.truncf %get3A_1 : vector<4096x64xf32> to vector<4096x64xbf16>
    %get3A_2 = arith.constant 0 : index
    %get3A_3 = arith.constant 0 : index
    %get3A_4 = vector.load %arg2[%get3A_2, %get3A_3] : memref<4096x16xf32, #tpu.memory_space<vmem>>, vector<4096x16xf32>
    %convert_element_type3A_5 = arith.truncf %get3A_4 : vector<4096x16xf32> to vector<4096x16xbf16>
    %get3A_6 = arith.constant 0 : index
    %get3A_7 = arith.constant 0 : index
    %get3A_8 = vector.load %arg4[%get3A_6, %get3A_7] : memref<16x1024xbf16, #tpu.memory_space<vmem>>, vector<16x1024xbf16>
    %dot_general3A = arith.constant dense<0.000000e+00> : vector<4096x1024xf32>
    %dot_general3A_9 = tpu.matmul %convert_element_type3A_5, %get3A_8, %dot_general3A {dimension_numbers = #tpu.dot_dimension_numbers<[1], [0], [0], [1], [0, 0, 1, 1], [], []>, transpose_lhs_hint = false} : vector<4096x16xbf16>, vector<16x1024xbf16>, vector<4096x1024xf32> -> vector<4096x1024xf32>
    %convert_element_type3A_10 = arith.truncf %dot_general3A_9 : vector<4096x1024xf32> to vector<4096x1024xbf16>
    %tile3A = tpu.concatenate %convert_element_type3A, %convert_element_type3A, %convert_element_type3A, %convert_element_type3A, %convert_element_type3A, %convert_element_type3A, %convert_element_type3A, %convert_element_type3A, %convert_element_type3A, %convert_element_type3A, %convert_element_type3A, %convert_element_type3A, %convert_element_type3A, %convert_element_type3A, %convert_element_type3A, %convert_element_type3A in 1 : vector<4096x64xbf16>, vector<4096x64xbf16>, vector<4096x64xbf16>, vector<4096x64xbf16>, vector<4096x64xbf16>, vector<4096x64xbf16>, vector<4096x64xbf16>, vector<4096x64xbf16>, vector<4096x64xbf16>, vector<4096x64xbf16>, vector<4096x64xbf16>, vector<4096x64xbf16>, vector<4096x64xbf16>, vector<4096x64xbf16>, vector<4096x64xbf16>, vector<4096x64xbf16> -> vector<4096x1024xbf16>
    %mul3A = arith.mulf %tile3A, %convert_element_type3A_10 : vector<4096x1024xbf16>
    %get3A_11 = arith.constant 0 : index
    %get3A_12 = arith.constant 0 : index
    %get3A_13 = vector.load %arg3[%get3A_11, %get3A_12] : memref<1024x64xbf16, #tpu.memory_space<vmem>>, vector<1024x64xbf16>
    %dot_general3A_14 = arith.constant dense<0.000000e+00> : vector<4096x64xf32>
    %dot_general3A_15 = tpu.matmul %mul3A, %get3A_13, %dot_general3A_14 {dimension_numbers = #tpu.dot_dimension_numbers<[1], [0], [0], [1], [0, 0, 1, 1], [], []>, transpose_lhs_hint = false} : vector<4096x1024xbf16>, vector<1024x64xbf16>, vector<4096x64xf32> -> vector<4096x64xf32>
    %swap3A = arith.constant 0 : index
    %swap3A_16 = arith.constant 0 : index
    %swap3A_17 = vector.load %arg5[%swap3A, %swap3A_16] : memref<4096x64xf32, #tpu.memory_space<vmem>>, vector<4096x64xf32>
    tpu.vector_store %arg5[%swap3A, %swap3A_16], %dot_general3A_15 {strides = array<i32>} : memref<4096x64xf32, #tpu.memory_space<vmem>>, vector<4096x64xf32>,
    return
  }
  func.func @transform_0(%arg0: i32) -> (i32, i32) {
    %c0_i32 = arith.constant 0 : i32
    %c0_i32_0 = arith.constant 0 : i32
    return %arg0, %c0_i32 : i32, i32
  }
  func.func @transform_1(%arg0: i32) -> (i32, i32) {
    %c0_i32 = arith.constant 0 : i32
    %c0_i32_0 = arith.constant 0 : i32
    return %arg0, %c0_i32 : i32, i32
  }
  func.func @transform_2(%arg0: i32) -> (i32, i32) {
    %c0_i32 = arith.constant 0 : i32
    %c0_i32_0 = arith.constant 0 : i32
    %c0_i32_1 = arith.constant 0 : i32
    return %c0_i32, %c0_i32_0 : i32, i32
  }
  func.func @transform_3(%arg0: i32) -> (i32, i32) {
    %c0_i32 = arith.constant 0 : i32
    %c0_i32_0 = arith.constant 0 : i32
    %c0_i32_1 = arith.constant 0 : i32
    return %c0_i32, %c0_i32_0 : i32, i32
  }
  func.func @transform_4(%arg0: i32) -> (i32, i32) {
    %c0_i32 = arith.constant 0 : i32
    %c0_i32_0 = arith.constant 0 : i32
    return %arg0, %c0_i32 : i32, i32
  }
}

</mosaic_0001>

<sc_bundles>
// kernel: kernel.5.cloned.1.call-start
scs
__scs_entry_jumppad:
0x0: {  	(pc) =	sbr.rel $0x88, $3  }
0x1: {  	(tag) =	ssettag $0x0;
	lr =	simm.s32 $0x1  }
0x2: {  	[smem:$0x3F9D] =	sst lr;
	_ =	strace $0xD0000000  }
0x3: {  	_ = 	snop  }
0x4: {  	_ = 	snop  }
0x5: {  	_ = 	snop  }
0x6: {  	_ = 	snop  }
0x7: {  	_ = 	snop  }
__scs_overlays_trampoline_lowered:
0x8: {  	[smem:$0x3FAC] =	sst s0  }
0x9: {  	[smem:$0x3FAD] =	sst s1  }
0xa: {  	[smem:$0x3FAE] =	sst s2  }
0xb: {  	[smem:$0x3FAF] =	sst s3  }
0xc: {  	[smem:$0x3FB0] =	sst s4  }
0xd: {  	[smem:$0x3FB1] =	sst s5  }
0xe: {  	[smem:$0x3FB2] =	sst s6  }
0xf: {  	[smem:$0x3FB3] =	sst s7  }
0x10: {  	[smem:$0x3FB4] =	sst s8  }
0x11: {  	[smem:$0x3FB5] =	sst s9;
	s0 =	simm.s32 @!p0 $0x0  }
0x12: {  	s1 =	sld [smem:$0x3F9B];
	s0 =	simm.s32 @p0 $0x1  }
0x13: {  	[smem:$0x3FB6] =	sst s0;
	s0 =	simm.s32 @!p1 $0x0  }
0x14: {  	s2 =	sld [smem:$0x3F9A];
	s0 =	simm.s32 @p1 $0x1  }
0x15: {  	[smem:$0x3FB7] =	sst s0;
	s0 =	simm.s32 @!p2 $0x0  }
0x16: {  	s3 =	sld [smem:$0x3FDB];
	s0 =	simm.s32 @p2 $0x1  }
0x17: {  	s4 =	simm.s32 $0x1BF5;
	[smem:$0x3FB9] =	sst s0  }
0x18: {  	s0 =	sld [smem:$0x3F9C];
	_ =	swait.ge [sflag:s4], $0x0  }
0x19: {  	s7 =	sld [smem:$0x3F9D]  }
0x1a: {  	s8 =	sadd.s32 $0xFFFFE003, lr  }
0x1b: {  	s9 =	sadd.s32 $0xFFFFFEF7, lr;
	s5 =	simm.s32 $0xFFFFFFFF;
	p2 =	slt.u32 s8, $0xFFFFF086  }
0x1c: {  	p1 =	slt.u32 s9, $0xF7A;
	s5 =	simm.s32 @!p2 $0x0  }
0x1d: {  	s5 =	simm.s32 @p1 $0x1;
	p0 =	seq.s32 s7, s2  }
0x1e: {  	s7 =	smul.u32 @!p0 $0xF7A, s2;
	p2 =	seq.s32 @!p0 s5, $0x0  }
0x1f: {  	s9 =	smul.u32 $0xF7A, s1;
	s8 =	simm.s32 @!p0 $0x1BF5;
	p2 =	por !p2, p0  }
0x20: {  	[sflag:s8] =	ssyncset.s32 @!p0 $0xFFFFF086;
	s6 =	sadd.s32 @!p0 s3, s7;
	s7 =	simm.s32 @!p0 $0x108  }
0x21: {  	s3 =	sadd.s32 s3, s9;
	s6 =	sadd.s32 @!p0 $0x88, s6;
	s7 =	simm.s32 @p2 $0x1082  }
0x22: {  	[simem:s7], [sflag:s8] =	dma.local @!p0 [hbm:s6], $0xF7A  }
0x23: {  	s9 =	sor.u32 $0xD0000000, s2;
	s6 =	simm.s32 $0x108;
	_ =	swait.ge @!p0 [sflag:s8], $0x0  }
0x24: {  	s3 =	sadd.s32 $0x88, s3;
	s6 =	simm.s32 @!p1 $0x1082;
	[sflag:s4] =	ssyncset.s32 $0xFFFFF086  }
0x25: {  	[simem:s6], [sflag:s4] =	dma.local [hbm:s3], $0xF7A  }
0x26: {  	[smem:$0x3F9D] =	sst s1;
	(tag) =	ssettag s2;
	_ =	strace s9  }
0x27: {  	s1 =	sld [smem:$0x3FAD]  }
0x28: {  	s2 =	sld [smem:$0x3FAE]  }
0x29: {  	s4 =	sld [smem:$0x3FB0]  }
0x2a: {  	p0 =	seq.s32 s5, $0x0;
	s5 =	sld [smem:$0x3FB1]  }
0x2b: {  	s6 =	sld [smem:$0x3FB2]  }
0x2c: {  	s7 =	sld [smem:$0x3FB3]  }
0x2d: {  	s3 =	simm.s32 $0x108;
	s8 =	sld [smem:$0x3FB4]  }
0x2e: {  	s3 =	simm.s32 @!p0 $0x1082;
	s9 =	sld [smem:$0x3FB5]  }
0x2f: {  	lr =	sadd.s32 s0, s3;
	s0 =	sld [smem:$0x3FAC]  }
0x30: {  	s3 =	sld [smem:$0x3FAF]  }
0x31: {  	[smem:$0x3FB8] =	sst s10  }
0x32: {  	s10 =	sld [smem:$0x3FB6];
	_ =	sdelay $0x3  }
0x33: {  	p0 =	seq.s32 s10, $0x1;
	s10 =	sld [smem:$0x3FB8];
	_ =	sdelay $0x3  }
0x34: {  	[smem:$0x3FB8] =	sst s10  }
0x35: {  	s10 =	sld [smem:$0x3FB7];
	_ =	sdelay $0x3  }
0x36: {  	p1 =	seq.s32 s10, $0x1;
	s10 =	sld [smem:$0x3FB8];
	_ =	sdelay $0x3  }
0x37: {  	[smem:$0x3FB8] =	sst s10  }
0x38: {  	s10 =	sld [smem:$0x3FB9]  }
0x39: {  	_ = 	snop;
	(pc) =	sbr.ind lr, $3  }
0x3a: {  	_ = 	snop  }
0x3b: {  	_ = 	snop  }
0x3c: {  	p2 =	seq.s32 s10, $0x1;
	s10 =	sld [smem:$0x3FB8]  }
0x3d: {  	_ =	shalt  }
0x3e: {  	_ =	shalt  }
0x3f: {  	_ =	shalt  }
0x40: {  	_ =	shalt  }
0x41: {  	_ =	shalt  }
0x42: {  	_ =	shalt  }
0x43: {  	_ =	shalt  }
0x44: {  	_ =	shalt  }
0x45: {  	_ =	shalt  }
0x46: {  	_ =	shalt  }
0x47: {  	_ =	shalt  }
0x48: {  	_ =	shalt  }
0x49: {  	_ =	shalt  }
0x4a: {  	_ =	shalt  }
0x4b: {  	_ =	shalt  }
0x4c: {  	_ =	shalt  }
0x4d: {  	_ =	shalt  }
0x4e: {  	_ =	shalt  }
0x4f: {  	_ =	shalt  }
0x50: {  	_ =	shalt  }
0x51: {  	_ =	shalt  }
0x52: {  	_ =	shalt  }
0x53: {  	_ =	shalt  }
0x54: {  	_ =	shalt  }
0x55: {  	_ =	shalt  }
0x56: {  	_ =	shalt  }
0x57: {  	_ =	shalt  }
0x58: {  	_ =	shalt  }
0x59: {  	_ =	shalt  }
0x5a: {  	_ =	shalt  }
0x5b: {  	_ =	shalt  }
0x5c: {  	_ =	shalt  }
0x5d: {  	_ =	shalt  }
0x5e: {  	_ =	shalt  }
0x5f: {  	_ =	shalt  }
0x60: {  	_ =	shalt  }
0x61: {  	_ =	shalt  }
0x62: {  	_ =	shalt  }
0x63: {  	_ =	shalt  }
0x64: {  	_ =	shalt  }
0x65: {  	_ =	shalt  }
0x66: {  	_ =	shalt  }
0x67: {  	_ =	shalt  }
0x68: {  	_ =	shalt  }
0x69: {  	_ =	shalt  }
0x6a: {  	_ =	shalt  }
0x6b: {  	_ =	shalt  }
0x6c: {  	_ =	shalt  }
0x6d: {  	_ =	shalt  }
0x6e: {  	_ =	shalt  }
0x6f: {  	_ =	shalt  }
0x70: {  	_ =	shalt  }
0x71: {  	_ =	shalt  }
0x72: {  	_ =	shalt  }
0x73: {  	_ =	shalt  }
0x74: {  	_ =	shalt  }
0x75: {  	_ =	shalt  }
0x76: {  	_ =	shalt  }
0x77: {  	_ =	shalt  }
0x78: {  	_ =	shalt  }
0x79: {  	_ =	shalt  }
0x7a: {  	_ =	shalt  }
0x7b: {  	_ =	shalt  }
0x7c: {  	_ =	shalt  }
0x7d: {  	_ =	shalt  }
0x7e: {  	_ =	shalt  }
0x7f: {  	_ =	shalt  }
0x80: {  	_ =	shalt  }
0x81: {  	_ =	shalt  }
0x82: {  	_ =	shalt  }
0x83: {  	_ =	shalt  }
0x84: {  	_ =	shalt  }
0x85: {  	_ =	shalt  }
0x86: {  	_ =	shalt  }
0x87: {  	_ =	shalt  }
.Lfunc_end0:
.L_simem_size_0:
called_computation_lowered:
.L_overlay_start_0:
0x88: {  	s2 =	sld [smem:$0x3FD9]  }
0x89: {  	s3 =	sld [smem:$0x3FFE];
	_ =	sdelay $0x1  }
0x8a: {  	s1 =	srdreg.scid  }
0x8b: {  	s0 =	sand.u32 $0x1, s1  }
0x8c: {  	s17 =	sshll.u32 s0, $0xA;
	s2 =	sadd.s32 s3, s2  }
0x8d: {  	s2 =	sadd.s32 s2, s17  }
0x8e: {  	[smem:$0x3FC4] =	sst s2  }
0x8f: {  	_ = 	snop  }
0x90: {  	s2 =	sld [smem:$0x3FD0];
	(tm) =	ssettm $0x1  }
0x91: {  	s18 =	sld [smem:$0x3FFB];
	_ =	sdelay $0x3  }
0x92: {  	_ =	strace s18  }
0x93: {  	s3 =	sld [smem:$0x3FFC];
	_ =	sdelay $0x3  }
0x94: {  	_ =	strace s3  }
0x95: {  	s3 =	sld [smem:$0x3FFD];
	_ =	sdelay $0x3  }
0x96: {  	_ =	strace s3  }
0x97: {  	_ =	strace $0x8FFFFFFF  }
0x98: {  	s19 =	sld [smem:$0x3FDB];
	_ =	sdelay $0x1  }
0x99: {  	s4 =	simm.s32 $_scs_section_size  }
0x9a: {  	s5 =	simm.s32 $_size__tile_overlayer_lowered;
	s6 =	simm.s32 $_tile_overlayer_lowered  }
0x9b: {  	s22 =	simm.s32 $0x1BFF;
	s21 =	sshll.u32 s6, $0x1;
	s3 =	sadd.s32 s4, s19  }
0x9c: {  	s7 =	simm.s32 $0x0;
	s20 =	sshll.u32 s5, $0x1;
	s5 =	sadd.s32 s21, s3  }
0x9d: {  	[timem:s7], [sflag:s22] =	dma.local [hbm:s5], s20  }
0x9e: {  	_ =	swait.ge [sflag:s22], s20  }
0x9f: {  	s4 =	ssub.s32 $0x0, s20;
	[sflag:s22] =	ssyncset.done $0x0  }
0xa0: {  	[sflag:s22] =	ssyncadd.s32 s4;
	_ =	sdelay $0x1  }
0xa1: {  	s23 =	simm.s32 $0x1B8B  }
0xa2: {  	_ =	swait.ge [sflag:s23], $0x1  }
0xa3: {  	[sflag:s23] =	ssyncset.done $0x0  }
0xa4: {  	s25 =	simm.s32 $0x1B8E;
	s24 =	sld [smem:$0x3FFE];
	[sflag:s23] =	ssyncadd.s32 $0xFFFFFFFF  }
0xa5: {  	s26 =	simm.s32 $execute0_lowered;
	[smem:$0x3FD2] =	sst s25  }
0xa6: {  	s5 =	sshll.u32 s26, $0x1;
	_ =	strace $0x80000046;
	[dreg:$0x1] =	wrdreg $0xFFFFFFFF  }
0xa7: {  	s28 =	simm.s32 $_size_execute0_lowered;
	s3 =	sadd.s32 s3, s5;
	[dreg:$0x0] =	wrdreg $0x0  }
0xa8: {  	s5 =	sshll.u32 s28, $0x1;
	[dreg:$0x2] =	wrdreg s3  }
0xa9: {  	[dreg:$0x3] =	wrdreg s5  }
0xaa: {  	[dreg:$0x4] =	wrdreg $0xC0  }
0xab: {  	_ =	task [dreg:s7], $0x5FFFF  }
0xac: {  	[dreg:$0x1] =	wrdreg $0xFFFFFFFF  }
0xad: {  	[dreg:$0x0] =	wrdreg $0x60  }
0xae: {  	[dreg:$0x2] =	wrdreg s2  }
0xaf: {  	[dreg:$0x3] =	wrdreg s24  }
0xb0: {  	[dreg:$0x4] =	wrdreg $0x9  }
0xb1: {  	_ =	task.clear_ibuf [dreg:s7], $0x5FFFF;
	_ =	strace $0x90000046  }
0xb2: {  	s29 =	simm.s32 $0x9;
	_ =	strace $0x80000048  }
0xb3: {  	_ =	swait.ge [sflag:s29], $0x1  }
0xb4: {  	[sflag:s29] =	ssyncadd.s32 $0xFFFFFFFF  }
0xb5: {  	_ =	strace $0x90000048  }
0xb6: {  	_ =	sfence  }
0xb7: {  	s30 =	sld [smem:$0x0];
	_ =	sdelay $0x2  }
0xb8: {  	s31 =	sshll.u32 s1, $0xD;
	s1 =	sshrl.u32 s1, $0x2  }
0xb9: {  	s3 =	sand.u32 $0x4000, s31;
	s1 =	sadd.s32 s1, s30  }
0xba: {  	s0 =	sor.u32 s3, s0;
	s1 =	sshll.u32 s1, $0x11  }
0xbb: {  	s0 =	sor.u32 s1, s0  }
0xbc: {  	s0 =	sadd.s32 $0x8F2B, s0  }
0xbd: {  	[sflag:s0] =	ssyncadd.remote.s32 $0x1  }
0xbe: {  	_ =	sfence.sel $0xFFFF  }
0xbf: {  	[dreg:$0x0] =	wrdreg $0xFFFFFFFF;
	(pc) =	sbr.abs _section_cstart, $3  }
0xc0: {  	[dreg:$0x1] =	wrdreg $0xFFFFFFFF  }
0xc1: {  	_ =	task.clear_ibuf [dreg:s7], $0x2FFFF;
	_ =	strace $0x9FFFFFFF  }
0xc2: {  	(tm) =	ssettm $0x7FFFFFFF  }
0xc3: {  	_ =	shalt  }
tec
execute0_lowered:
.L_overlay_start_1:
0x0: {  	(tag) =	ssettag $0x1  }
0x1: {  	s1 =	srdreg.scid  }
0x2: {  	s0 =	stileid.u32;
	s12 =	sand.u32 $0x1, s1  }
0x3: {  	s2 =	rddreg [dreg:$0x0];
	s30 =	sshll.u32 s0, $0xA;
	s3 =	sshll.u32 s12, $0x9  }
0x4: {  	s14 =	rddreg [dreg:$0x1];
	s15 =	sor.u32 s3, s30  }
0x5: {  	s1 =	rddreg [dreg:$0x2];
	s3 =	simm.s32 $0x0;
	s4 =	sshrl.u32 s15, $0x3  }
0x6: {  	[smem:$0x7FF] =	sst s3;
	s4 =	sadd.s32 s4, s14  }
0x7: {  	_ =	strace $0x80000047;
	s5 =	sadd.s32 $0xE00, s4;
	s4 =	simm.s32 $0x2  }
0x8: {  	[tilespmem:s3], [sflag:$0x2] =	stream.linear.gather [hbm4b:s5+s3], $0x200, $0x38;
	[tilespmem:$0x8200] =	vst v63  }
0x9: {  	_ =	swait.ge [sflag:s4], $0x200  }
0xa: {  	s6 =	simm.s32 $0x80;
	[sflag:s4] =	ssyncset.done $0x0  }
0xb: {  	s7 =	simm.s32 $0x200;
	s8 =	simm.s32 $0x1;
	[sflag:s4] =	ssyncadd.s32 $0xFFFFFE00  }
0xc: {  	[tilespmem:s7], [sflag:$0x1] =	stream.indirect.gather [hbm4b:s2+s6], $0x40, s3, s6, $0xb8;
	[tilespmem:$0x8200] =	vst v63  }
0xd: {  	_ =	swait.ge [sflag:s8], $0x2000  }
0xe: {  	[sflag:s8] =	ssyncset.done $0x0  }
0xf: {  	s9 =	simm.s32 $0x2200;
	[sflag:s8] =	ssyncadd.s32 $0xFFFFE000  }
0x10: {  	[tilespmem:s9], [sflag:$0x1] =	stream.indirect.gather [hbm4b:s2+s6], $0x40, s6, s6, $0xb8;
	[tilespmem:$0x8200] =	vst v63  }
0x11: {  	_ =	swait.ge [sflag:s8], $0x2000  }
0x12: {  	s10 =	simm.s32 $0x100;
	s11 =	simm.s32 $0x4200;
	[sflag:s8] =	ssyncset.done $0x0  }
0x13: {  	s13 =	simm.s32 $0x6200;
	s16 =	ssub.s32 $0x2, s12;
	[sflag:s8] =	ssyncadd.s32 $0xFFFFE000  }
0x14: {  	[tilespmem:s11], [sflag:$0x1] =	stream.indirect.gather [hbm4b:s2+s6], $0x40, s10, s6, $0xb8;
	[tilespmem:$0x8200] =	vst v63  }
0x15: {  	s12 =	simm.s32 $0x180;
	s17 =	sshrl.u32 s16, $0x1;
	_ =	swait.ge [sflag:s8], $0x2000  }
0x16: {  	s15 =	sshll.u32 s15, $0x3;
	s31 =	ssub.s32 s16, s17;
	[sflag:s8] =	ssyncset.done $0x0  }
0x17: {  	s14 =	sadd.s32 s15, s14;
	s15 =	smax.u32 s31, $0x1;
	[sflag:s8] =	ssyncadd.s32 $0xFFFFE000  }
0x18: {  	[tilespmem:s13], [sflag:$0x1] =	stream.indirect.gather [hbm4b:s2+s6], $0x40, s12, s6, $0xb8;
	[tilespmem:$0x8200] =	vst v63  }
0x19: {  	p0 =	sne.s32 s15, $0x1;
	_ =	swait.ge [sflag:s8], $0x2000  }
.Ltmp0:
0x1a: {  	[sflag:s8] =	ssyncset.done $0x0;
	(pc) =	sbr.rel @!p0 .LBB2_2-.Ltmp0, $4  }
0x1b: {  	s14 =	sadd.s32 $0x1600, s14;
	[sflag:s8] =	ssyncadd.s32 $0xFFFFE000  }
0x1c: {  	[hbm4b:s14+s3] =	stream.linear.scatter [tilespmem:s7], [sflag:$0x2], $0x8000, $0x38;
	[tilespmem:$0x8200] =	vst v63  }
0x1d: {  	_ =	swait.ge [sflag:s4], $0x8000  }
0x1e: {  	s15 =	sadd.s32 $0xFFFFFFFF, s15;
	[sflag:s4] =	ssyncset.done $0x0  }
.LBB2_1:
0x1f: {  	p0 =	sne.s32 s15, $0x1;
	s15 =	sadd.s32 $0xFFFFFFFF, s15;
	[sflag:s4] =	ssyncadd.s32 $0xFFFF8000  }
0x20: {  	[tilespmem:s3], [sflag:$0x2] =	stream.linear.gather [hbm4b:s5+s3], $0x200, $0x38;
	[tilespmem:$0x8200] =	vst v63  }
0x21: {  	_ =	swait.ge [sflag:s4], $0x200  }
0x22: {  	[sflag:s4] =	ssyncset.done $0x0  }
0x23: {  	[sflag:s4] =	ssyncadd.s32 $0xFFFFFE00  }
0x24: {  	[tilespmem:s7], [sflag:$0x1] =	stream.indirect.gather [hbm4b:s2+s6], $0x40, s3, s6, $0xb8;
	[tilespmem:$0x8200] =	vst v63  }
0x25: {  	_ =	swait.ge [sflag:s8], $0x2000  }
0x26: {  	[sflag:s8] =	ssyncset.done $0x0  }
0x27: {  	[sflag:s8] =	ssyncadd.s32 $0xFFFFE000  }
0x28: {  	[tilespmem:s9], [sflag:$0x1] =	stream.indirect.gather [hbm4b:s2+s6], $0x40, s6, s6, $0xb8;
	[tilespmem:$0x8200] =	vst v63  }
0x29: {  	_ =	swait.ge [sflag:s8], $0x2000  }
0x2a: {  	[sflag:s8] =	ssyncset.done $0x0  }
0x2b: {  	[sflag:s8] =	ssyncadd.s32 $0xFFFFE000  }
0x2c: {  	[tilespmem:s11], [sflag:$0x1] =	stream.indirect.gather [hbm4b:s2+s6], $0x40, s10, s6, $0xb8;
	[tilespmem:$0x8200] =	vst v63  }
0x2d: {  	_ =	swait.ge [sflag:s8], $0x2000  }
0x2e: {  	[sflag:s8] =	ssyncset.done $0x0  }
0x2f: {  	[sflag:s8] =	ssyncadd.s32 $0xFFFFE000  }
0x30: {  	[tilespmem:s13], [sflag:$0x1] =	stream.indirect.gather [hbm4b:s2+s6], $0x40, s12, s6, $0xb8;
	[tilespmem:$0x8200] =	vst v63  }
0x31: {  	_ =	swait.ge [sflag:s8], $0x2000  }
.Ltmp1:
0x32: {  	[sflag:s8] =	ssyncset.done $0x0;
	(pc) =	sbr.rel @p0 .LBB2_1-.Ltmp1, $4  }
0x33: {  	[sflag:s8] =	ssyncadd.s32 $0xFFFFE000  }
0x34: {  	[hbm4b:s14+s3] =	stream.linear.scatter [tilespmem:s7], [sflag:$0x2], $0x8000, $0x38;
	[tilespmem:$0x8200] =	vst v63  }
0x35: {  	_ =	swait.ge [sflag:s4], $0x8000  }
0x36: {  	[sflag:s4] =	ssyncset.done $0x0  }
.LBB2_2:
0x37: {  	[sflag:s4] =	ssyncadd.s32 $0xFFFF8000  }
0x38: {  	_ =	sfence.sel $0x180000  }
0x39: {  	[bflag:$0x0] =	sbarrier.arrive $0xFFFF  }
0x3a: {  	p0 =	sne.s32 s0, $0x0;
	_ =	strace $0x90000047  }
0x3b: {  	s0 =	sadd.s32 @!p0 $0x100000, s1;
	[bflag:$0x2] =	sbarrier.arrive $0xFFFF  }
0x3c: {  	[sflag:s0] =	ssyncadd.tile.s32 @!p0 $0x1;
	_ =	shalt  }
.Lfunc_end2:
_tile_overlayer_lowered:
.L_overlay_start_2:
0x3d: {  	(tag) =	ssettag $0x2  }
0x3e: {  	s0 =	rddreg [dreg:$0x0];
	s2 =	stileid.u32  }
0x3f: {  	s1 =	rddreg [dreg:$0x1];
	p0 =	sne.s32 s2, $0x0  }
0x40: {  	s3 =	rddreg [dreg:$0x2];
	[bflag:$0x3] =	sbarrier.arrive $0xFFFF;
	s2 =	simm.s32 @!p0 $0x1C02  }
0x41: {  	[timem:s3], [sflag:s2] =	dma.local @!p0 [hbm:s0], s1  }
0x42: {  	s0 =	simm.s32 @!p0 $0x2  }
0x43: {  	_ =	swait.ge @!p0 [sflag:s0], s1  }
0x44: {  	s1 =	ssub.s32 @!p0 $0x0, s1;
	[sflag:s0] =	ssyncset.done @!p0 $0x0  }
0x45: {  	[sflag:s0] =	ssyncadd.s32 @!p0 s1  }
0x46: {  	[bflag:$0x3] =	sbarrier.arrive $0xFFFF  }
0x47: {  	_ =	shalt  }

// kernel: kernel.8.cloned.1.call-start
scs
__scs_entry_jumppad:
0x0: {  	(pc) =	sbr.rel $0x88, $3  }
0x1: {  	(tag) =	ssettag $0x0;
	lr =	simm.s32 $0x1  }
0x2: {  	[smem:$0x3F9D] =	sst lr;
	_ =	strace $0xD0000000  }
0x3: {  	_ = 	snop  }
0x4: {  	_ = 	snop  }
0x5: {  	_ = 	snop  }
0x6: {  	_ = 	snop  }
0x7: {  	_ = 	snop  }
__scs_overlays_trampoline_lowered:
0x8: {  	[smem:$0x3FAC] =	sst s0  }
0x9: {  	[smem:$0x3FAD] =	sst s1  }
0xa: {  	[smem:$0x3FAE] =	sst s2  }
0xb: {  	[smem:$0x3FAF] =	sst s3  }
0xc: {  	[smem:$0x3FB0] =	sst s4  }
0xd: {  	[smem:$0x3FB1] =	sst s5  }
0xe: {  	[smem:$0x3FB2] =	sst s6  }
0xf: {  	[smem:$0x3FB3] =	sst s7  }
0x10: {  	[smem:$0x3FB4] =	sst s8  }
0x11: {  	[smem:$0x3FB5] =	sst s9;
	s0 =	simm.s32 @!p0 $0x0  }
0x12: {  	s1 =	sld [smem:$0x3F9B];
	s0 =	simm.s32 @p0 $0x1  }
0x13: {  	[smem:$0x3FB6] =	sst s0;
	s0 =	simm.s32 @!p1 $0x0  }
0x14: {  	s2 =	sld [smem:$0x3F9A];
	s0 =	simm.s32 @p1 $0x1  }
0x15: {  	[smem:$0x3FB7] =	sst s0;
	s0 =	simm.s32 @!p2 $0x0  }
0x16: {  	s3 =	sld [smem:$0x3FDB];
	s0 =	simm.s32 @p2 $0x1  }
0x17: {  	s4 =	simm.s32 $0x1BF5;
	[smem:$0x3FB9] =	sst s0  }
0x18: {  	s0 =	sld [smem:$0x3F9C];
	_ =	swait.ge [sflag:s4], $0x0  }
0x19: {  	s7 =	sld [smem:$0x3F9D]  }
0x1a: {  	s8 =	sadd.s32 $0xFFFFE003, lr  }
0x1b: {  	s9 =	sadd.s32 $0xFFFFFEF7, lr;
	s5 =	simm.s32 $0xFFFFFFFF;
	p2 =	slt.u32 s8, $0xFFFFF086  }
0x1c: {  	p1 =	slt.u32 s9, $0xF7A;
	s5 =	simm.s32 @!p2 $0x0  }
0x1d: {  	s5 =	simm.s32 @p1 $0x1;
	p0 =	seq.s32 s7, s2  }
0x1e: {  	s7 =	smul.u32 @!p0 $0xF7A, s2;
	p2 =	seq.s32 @!p0 s5, $0x0  }
0x1f: {  	s9 =	smul.u32 $0xF7A, s1;
	s8 =	simm.s32 @!p0 $0x1BF5;
	p2 =	por !p2, p0  }
0x20: {  	[sflag:s8] =	ssyncset.s32 @!p0 $0xFFFFF086;
	s6 =	sadd.s32 @!p0 s3, s7;
	s7 =	simm.s32 @!p0 $0x108  }
0x21: {  	s3 =	sadd.s32 s3, s9;
	s6 =	sadd.s32 @!p0 $0x88, s6;
	s7 =	simm.s32 @p2 $0x1082  }
0x22: {  	[simem:s7], [sflag:s8] =	dma.local @!p0 [hbm:s6], $0xF7A  }
0x23: {  	s9 =	sor.u32 $0xD0000000, s2;
	s6 =	simm.s32 $0x108;
	_ =	swait.ge @!p0 [sflag:s8], $0x0  }
0x24: {  	s3 =	sadd.s32 $0x88, s3;
	s6 =	simm.s32 @!p1 $0x1082;
	[sflag:s4] =	ssyncset.s32 $0xFFFFF086  }
0x25: {  	[simem:s6], [sflag:s4] =	dma.local [hbm:s3], $0xF7A  }
0x26: {  	[smem:$0x3F9D] =	sst s1;
	(tag) =	ssettag s2;
	_ =	strace s9  }
0x27: {  	s1 =	sld [smem:$0x3FAD]  }
0x28: {  	s2 =	sld [smem:$0x3FAE]  }
0x29: {  	s4 =	sld [smem:$0x3FB0]  }
0x2a: {  	p0 =	seq.s32 s5, $0x0;
	s5 =	sld [smem:$0x3FB1]  }
0x2b: {  	s6 =	sld [smem:$0x3FB2]  }
0x2c: {  	s7 =	sld [smem:$0x3FB3]  }
0x2d: {  	s3 =	simm.s32 $0x108;
	s8 =	sld [smem:$0x3FB4]  }
0x2e: {  	s3 =	simm.s32 @!p0 $0x1082;
	s9 =	sld [smem:$0x3FB5]  }
0x2f: {  	lr =	sadd.s32 s0, s3;
	s0 =	sld [smem:$0x3FAC]  }
0x30: {  	s3 =	sld [smem:$0x3FAF]  }
0x31: {  	[smem:$0x3FB8] =	sst s10  }
0x32: {  	s10 =	sld [smem:$0x3FB6];
	_ =	sdelay $0x3  }
0x33: {  	p0 =	seq.s32 s10, $0x1;
	s10 =	sld [smem:$0x3FB8];
	_ =	sdelay $0x3  }
0x34: {  	[smem:$0x3FB8] =	sst s10  }
0x35: {  	s10 =	sld [smem:$0x3FB7];
	_ =	sdelay $0x3  }
0x36: {  	p1 =	seq.s32 s10, $0x1;
	s10 =	sld [smem:$0x3FB8];
	_ =	sdelay $0x3  }
0x37: {  	[smem:$0x3FB8] =	sst s10  }
0x38: {  	s10 =	sld [smem:$0x3FB9]  }
0x39: {  	_ = 	snop;
	(pc) =	sbr.ind lr, $3  }
0x3a: {  	_ = 	snop  }
0x3b: {  	_ = 	snop  }
0x3c: {  	p2 =	seq.s32 s10, $0x1;
	s10 =	sld [smem:$0x3FB8]  }
0x3d: {  	_ =	shalt  }
0x3e: {  	_ =	shalt  }
0x3f: {  	_ =	shalt  }
0x40: {  	_ =	shalt  }
0x41: {  	_ =	shalt  }
0x42: {  	_ =	shalt  }
0x43: {  	_ =	shalt  }
0x44: {  	_ =	shalt  }
0x45: {  	_ =	shalt  }
0x46: {  	_ =	shalt  }
0x47: {  	_ =	shalt  }
0x48: {  	_ =	shalt  }
0x49: {  	_ =	shalt  }
0x4a: {  	_ =	shalt  }
0x4b: {  	_ =	shalt  }
0x4c: {  	_ =	shalt  }
0x4d: {  	_ =	shalt  }
0x4e: {  	_ =	shalt  }
0x4f: {  	_ =	shalt  }
0x50: {  	_ =	shalt  }
0x51: {  	_ =	shalt  }
0x52: {  	_ =	shalt  }
0x53: {  	_ =	shalt  }
0x54: {  	_ =	shalt  }
0x55: {  	_ =	shalt  }
0x56: {  	_ =	shalt  }
0x57: {  	_ =	shalt  }
0x58: {  	_ =	shalt  }
0x59: {  	_ =	shalt  }
0x5a: {  	_ =	shalt  }
0x5b: {  	_ =	shalt  }
0x5c: {  	_ =	shalt  }
0x5d: {  	_ =	shalt  }
0x5e: {  	_ =	shalt  }
0x5f: {  	_ =	shalt  }
0x60: {  	_ =	shalt  }
0x61: {  	_ =	shalt  }
0x62: {  	_ =	shalt  }
0x63: {  	_ =	shalt  }
0x64: {  	_ =	shalt  }
0x65: {  	_ =	shalt  }
0x66: {  	_ =	shalt  }
0x67: {  	_ =	shalt  }
0x68: {  	_ =	shalt  }
0x69: {  	_ =	shalt  }
0x6a: {  	_ =	shalt  }
0x6b: {  	_ =	shalt  }
0x6c: {  	_ =	shalt  }
0x6d: {  	_ =	shalt  }
0x6e: {  	_ =	shalt  }
0x6f: {  	_ =	shalt  }
0x70: {  	_ =	shalt  }
0x71: {  	_ =	shalt  }
0x72: {  	_ =	shalt  }
0x73: {  	_ =	shalt  }
0x74: {  	_ =	shalt  }
0x75: {  	_ =	shalt  }
0x76: {  	_ =	shalt  }
0x77: {  	_ =	shalt  }
0x78: {  	_ =	shalt  }
0x79: {  	_ =	shalt  }
0x7a: {  	_ =	shalt  }
0x7b: {  	_ =	shalt  }
0x7c: {  	_ =	shalt  }
0x7d: {  	_ =	shalt  }
0x7e: {  	_ =	shalt  }
0x7f: {  	_ =	shalt  }
0x80: {  	_ =	shalt  }
0x81: {  	_ =	shalt  }
0x82: {  	_ =	shalt  }
0x83: {  	_ =	shalt  }
0x84: {  	_ =	shalt  }
0x85: {  	_ =	shalt  }
0x86: {  	_ =	shalt  }
0x87: {  	_ =	shalt  }
.Lfunc_end0:
.L_simem_size_0:
called_computation.1_lowered:
.L_overlay_start_0:
0x88: {  	s2 =	sld [smem:$0x3FD9]  }
0x89: {  	s3 =	sld [smem:$0x3FFE];
	_ =	sdelay $0x1  }
0x8a: {  	s1 =	srdreg.scid  }
0x8b: {  	s0 =	sand.u32 $0x1, s1  }
0x8c: {  	s17 =	sshll.u32 s0, $0xA;
	s2 =	sadd.s32 s3, s2  }
0x8d: {  	s2 =	sadd.s32 s2, s17  }
0x8e: {  	[smem:$0x3FC4] =	sst s2  }
0x8f: {  	_ = 	snop  }
0x90: {  	s2 =	sld [smem:$0x3FD0];
	(tm) =	ssettm $0x1  }
0x91: {  	s18 =	sld [smem:$0x3FFB];
	_ =	sdelay $0x3  }
0x92: {  	_ =	strace s18  }
0x93: {  	s3 =	sld [smem:$0x3FFC];
	_ =	sdelay $0x3  }
0x94: {  	_ =	strace s3  }
0x95: {  	s3 =	sld [smem:$0x3FFD];
	_ =	sdelay $0x3  }
0x96: {  	_ =	strace s3  }
0x97: {  	_ =	strace $0x8FFFFFFF  }
0x98: {  	s19 =	sld [smem:$0x3FDB];
	_ =	sdelay $0x1  }
0x99: {  	s4 =	simm.s32 $_scs_section_size  }
0x9a: {  	s5 =	simm.s32 $_size__tile_overlayer_lowered;
	s6 =	simm.s32 $_tile_overlayer_lowered  }
0x9b: {  	s22 =	simm.s32 $0x1BFF;
	s21 =	sshll.u32 s6, $0x1;
	s3 =	sadd.s32 s4, s19  }
0x9c: {  	s7 =	simm.s32 $0x0;
	s20 =	sshll.u32 s5, $0x1;
	s5 =	sadd.s32 s21, s3  }
0x9d: {  	[timem:s7], [sflag:s22] =	dma.local [hbm:s5], s20  }
0x9e: {  	_ =	swait.ge [sflag:s22], s20  }
0x9f: {  	s4 =	ssub.s32 $0x0, s20;
	[sflag:s22] =	ssyncset.done $0x0  }
0xa0: {  	[sflag:s22] =	ssyncadd.s32 s4;
	_ =	sdelay $0x1  }
0xa1: {  	s23 =	simm.s32 $0x1B8B  }
0xa2: {  	_ =	swait.ge [sflag:s23], $0x1  }
0xa3: {  	[sflag:s23] =	ssyncset.done $0x0  }
0xa4: {  	s25 =	simm.s32 $0x1B8E;
	s24 =	sld [smem:$0x3FFE];
	[sflag:s23] =	ssyncadd.s32 $0xFFFFFFFF  }
0xa5: {  	s26 =	simm.s32 $execute0_lowered;
	[smem:$0x3FD2] =	sst s25  }
0xa6: {  	s5 =	sshll.u32 s26, $0x1;
	_ =	strace $0x80000049;
	[dreg:$0x1] =	wrdreg $0xFFFFFFFF  }
0xa7: {  	s28 =	simm.s32 $_size_execute0_lowered;
	s3 =	sadd.s32 s3, s5;
	[dreg:$0x0] =	wrdreg $0x0  }
0xa8: {  	s5 =	sshll.u32 s28, $0x1;
	[dreg:$0x2] =	wrdreg s3  }
0xa9: {  	[dreg:$0x3] =	wrdreg s5  }
0xaa: {  	[dreg:$0x4] =	wrdreg $0xC0  }
0xab: {  	_ =	task [dreg:s7], $0x5FFFF  }
0xac: {  	[dreg:$0x1] =	wrdreg $0xFFFFFFFF  }
0xad: {  	[dreg:$0x0] =	wrdreg $0x60  }
0xae: {  	[dreg:$0x2] =	wrdreg s24  }
0xaf: {  	[dreg:$0x3] =	wrdreg s2  }
0xb0: {  	[dreg:$0x4] =	wrdreg $0xC2000  }
0xb1: {  	[dreg:$0x5] =	wrdreg $0x9  }
0xb2: {  	_ =	task.clear_ibuf [dreg:s7], $0x6FFFF;
	_ =	strace $0x90000049  }
0xb3: {  	s29 =	simm.s32 $0x9;
	_ =	strace $0x8000004B  }
0xb4: {  	_ =	swait.ge [sflag:s29], $0x1  }
0xb5: {  	[sflag:s29] =	ssyncadd.s32 $0xFFFFFFFF  }
0xb6: {  	_ =	strace $0x9000004B  }
0xb7: {  	_ =	sfence  }
0xb8: {  	s30 =	sld [smem:$0x0];
	_ =	sdelay $0x2  }
0xb9: {  	s31 =	sshll.u32 s1, $0xD;
	s1 =	sshrl.u32 s1, $0x2  }
0xba: {  	s3 =	sand.u32 $0x4000, s31;
	s1 =	sadd.s32 s1, s30  }
0xbb: {  	s0 =	sor.u32 s3, s0;
	s1 =	sshll.u32 s1, $0x11  }
0xbc: {  	s0 =	sor.u32 s1, s0  }
0xbd: {  	s0 =	sadd.s32 $0x8F2B, s0  }
0xbe: {  	[sflag:s0] =	ssyncadd.remote.s32 $0x1  }
0xbf: {  	_ =	sfence.sel $0xFFFF  }
0xc0: {  	[dreg:$0x0] =	wrdreg $0xFFFFFFFF;
	(pc) =	sbr.abs _section_cstart, $3  }
0xc1: {  	[dreg:$0x1] =	wrdreg $0xFFFFFFFF  }
0xc2: {  	_ =	task.clear_ibuf [dreg:s7], $0x2FFFF;
	_ =	strace $0x9FFFFFFF  }
0xc3: {  	(tm) =	ssettm $0x7FFFFFFF  }
tec
execute0_lowered:
.L_overlay_start_1:
0x0: {  	(tag) =	ssettag $0x1  }
0x1: {  	s4 =	rddreg [dreg:$0x0]  }
0x2: {  	s7 =	rddreg [dreg:$0x1]  }
0x3: {  	s2 =	rddreg [dreg:$0x2]  }
0x4: {  	s0 =	rddreg [dreg:$0x3];
	s3 =	simm.s32 $0x0;
	s5 =	srdreg.scid  }
0x5: {  	s1 =	stileid.u32;
	s11 =	simm.s32 $0x8200;
	s12 =	simm.s32 $0x80  }
0x6: {  	s13 =	simm.s32 $0x2200;
	s14 =	simm.s32 $0x100;
	s15 =	simm.s32 $0x4200  }
0x7: {  	s16 =	simm.s32 $0x180;
	s17 =	simm.s32 $0x6200;
	s20 =	simm.s32 $0x0  }
0x8: {  	[smem:$0x7FF] =	sst s3;
	s5 =	sand.u32 $0x1, s5;
	s6 =	sshll.u32 s1, $0x1  }
0x9: {  	s10 =	sshll.u32 s1, $0xE;
	s18 =	sshll.u32 s1, $0x6;
	_ =	strace $0x8000004A  }
0xa: {  	s8 =	sor.u32 s5, s6;
	s5 =	ssub.s32 $0x2, s5;
	s18 =	sor.u32 $0x1C01, s18  }
0xb: {  	s6 =	sshll.u32 s8, $0xC;
	s9 =	sshll.u32 s8, $0x6;
	s31 =	sshrl.u32 s5, $0x1  }
0xc: {  	s8 =	sshll.u32 s8, $0xB;
	s6 =	sadd.s32 s6, s4;
	s4 =	sadd.s32 s9, s4  }
0xd: {  	s9 =	ssub.s32 s5, s31;
	s7 =	sadd.s32 s7, s8;
	s4 =	sadd.s32 $0x61600, s4  }
0xe: {  	s5 =	sadd.s32 $0xE00, s6;
	s6 =	sadd.s32 s10, s2;
	s8 =	smax.u32 s9, $0x1  }
0xf: {  	v0 =	vimm.f32 $0.0e+00;
	s9 =	simm.s32 $0x1;
	s10 =	simm.s32 $0x200;
	s19 =	sshrl.u32 s6, $0x3  }
.LBB2_1:
0x10: {  	[tilespmem:s3], [sflag:$0x1] =	stream.linear.gather [hbm4b:s4+s3], $0x200, $0x38;
	[tilespmem:$0x10200] =	vst v63  }
0x11: {  	_ =	swait.ge [sflag:s9], $0x200  }
0x12: {  	[sflag:s9] =	ssyncset.done $0x0  }
0x13: {  	[sflag:s9] =	ssyncadd.s32 $0xFFFFFE00  }
0x14: {  	[tilespmem:s10], [sflag:$0x1] =	stream.linear.gather [hbm4b:s5+s3], $0x8000, $0x38;
	[tilespmem:$0x10200] =	vst v63  }
0x15: {  	_ =	swait.ge [sflag:s9], $0x8000  }
0x16: {  	[sflag:s9] =	ssyncset.done $0x0  }
0x17: {  	s22 =	simm.s32 $0x100;
	s21 =	simm.s32 $0x0;
	[sflag:s9] =	ssyncadd.s32 $0xFFFF8000  }
.LBB2_2:
0x18: {  	p0 =	sne.s32 s22, $0xFF00;
	[tilespmem:s21+$0x8230] =	vst v0;
	s23 =	smov.u32 s22;
	s22 =	sadd.s32 $0x100, s22  }
.Ltmp0:
0x19: {  	[tilespmem:s21+$0x8220] =	vst v0;
	(pc) =	sbr.rel @p0 .LBB2_2-.Ltmp0, $3  }
0x1a: {  	[tilespmem:s21+$0x8200] =	vst v0  }
0x1b: {  	[tilespmem:s21+$0x8210] =	vst v0;
	_ =	sdelay $0x1  }
0x1c: {  	s21 =	sshra.s32 s23, $0x2  }
0x1d: {  	[tilespmem:s21+$0x8230] =	vst v0  }
0x1e: {  	[tilespmem:s21+$0x8220] =	vst v0  }
0x1f: {  	[tilespmem:s21+$0x8200] =	vst v0  }
0x20: {  	[tilespmem:s21+$0x8210] =	vst v0  }
0x21: {  	[spmem:s6] =	stream.linear.scatter [tilespmem:s11], [sflag:$0x1], $0x4000, $0x38;
	[tilespmem:$0x10200] =	vst v63  }
0x22: {  	_ =	swait.ge [sflag:s9], $0x4000  }
0x23: {  	[sflag:s9] =	ssyncset.done $0x0  }
0x24: {  	[sflag:s9] =	ssyncadd.s32 $0xFFFFC000  }
0x25: {  	[spmem:s2] =	stream.indirect.scatter.add.f32 [tilespmem:s10], [sflag:$0x1], $0x40, s3, s12, $0xb8;
	[tilespmem:$0x10200] =	vst v63  }
0x26: {  	_ =	swait.ge [sflag:s9], $0x2000  }
0x27: {  	[sflag:s9] =	ssyncset.done $0x0  }
0x28: {  	[sflag:s9] =	ssyncadd.s32 $0xFFFFE000  }
0x29: {  	[spmem:s2] =	stream.indirect.scatter.add.f32 [tilespmem:s13], [sflag:$0x1], $0x40, s12, s12, $0xb8;
	[tilespmem:$0x10200] =	vst v63  }
0x2a: {  	_ =	swait.ge [sflag:s9], $0x2000  }
0x2b: {  	[sflag:s9] =	ssyncset.done $0x0  }
0x2c: {  	[sflag:s9] =	ssyncadd.s32 $0xFFFFE000  }
0x2d: {  	[spmem:s2] =	stream.indirect.scatter.add.f32 [tilespmem:s15], [sflag:$0x1], $0x40, s14, s12, $0xb8;
	[tilespmem:$0x10200] =	vst v63  }
0x2e: {  	_ =	swait.ge [sflag:s9], $0x2000  }
0x2f: {  	[sflag:s9] =	ssyncset.done $0x0  }
0x30: {  	[sflag:s9] =	ssyncadd.s32 $0xFFFFE000  }
0x31: {  	[spmem:s2] =	stream.indirect.scatter.add.f32 [tilespmem:s17], [sflag:$0x1], $0x40, s16, s12, $0xb8;
	[tilespmem:$0x10200] =	vst v63  }
0x32: {  	s20 =	sadd.s32 $0x1, s20;
	_ =	swait.ge [sflag:s9], $0x2000  }
0x33: {  	p0 =	sne.s32 s20, s8;
	[sflag:s9] =	ssyncset.done $0x0  }
.Ltmp1:
0x34: {  	[sflag:s9] =	ssyncadd.s32 $0xFFFFE000;
	(pc) =	sbr.rel @p0 .LBB2_1-.Ltmp1, $4  }
0x35: {  	[hbm:s7], [sflag:s18] =	dma.local [spmem:s19], $0x800  }
0x36: {  	_ =	swait.ge [sflag:s9], $0x800  }
0x37: {  	[sflag:s9] =	ssyncset.done $0x0  }
0x38: {  	[sflag:s9] =	ssyncadd.s32 $0xFFFFF800  }
0x39: {  	_ =	sfence.sel $0x180000  }
0x3a: {  	[bflag:$0x0] =	sbarrier.arrive $0xFFFF  }
0x3b: {  	p0 =	sne.s32 s1, $0x0;
	_ =	strace $0x9000004A  }
0x3c: {  	s0 =	sadd.s32 @!p0 $0x100000, s0;
	[bflag:$0x2] =	sbarrier.arrive $0xFFFF  }
0x3d: {  	[sflag:s0] =	ssyncadd.tile.s32 @!p0 $0x1;
	_ =	shalt  }
.Lfunc_end2:
_tile_overlayer_lowered:
.L_overlay_start_2:
0x3e: {  	(tag) =	ssettag $0x2  }
0x3f: {  	s0 =	rddreg [dreg:$0x0];
	s2 =	stileid.u32  }
0x40: {  	s1 =	rddreg [dreg:$0x1];
	p0 =	sne.s32 s2, $0x0  }
0x41: {  	s3 =	rddreg [dreg:$0x2];
	[bflag:$0x3] =	sbarrier.arrive $0xFFFF;
	s2 =	simm.s32 @!p0 $0x1C01  }
0x42: {  	[timem:s3], [sflag:s2] =	dma.local @!p0 [hbm:s0], s1  }
0x43: {  	s0 =	simm.s32 @!p0 $0x1  }
0x44: {  	_ =	swait.ge @!p0 [sflag:s0], s1  }
0x45: {  	s1 =	ssub.s32 @!p0 $0x0, s1;
	[sflag:s0] =	ssyncset.done @!p0 $0x0  }
0x46: {  	[sflag:s0] =	ssyncadd.s32 @!p0 s1  }
0x47: {  	[bflag:$0x3] =	sbarrier.arrive $0xFFFF  }
0x48: {  	_ =	shalt  }

</sc_bundles>
